<compile_context>
chip_gen: v7x
topology: tpu7x:2x2x1
jax: 0.10.2.dev20260603
libtpu: 0.0.44.dev20260713+nightly
codegen_flags: <defaults>
</compile_context>

<pallas_src>
import functools

import jax
import jax.numpy as jnp
from jax import lax
from jax.experimental import pallas as pl
from jax.experimental.pallas import tpu as pltpu
from jax.experimental.pallas import tpu_sc as plsc

B = 16384
D = 100
DP = 128
NC = 2
NS = 16
NW = NC * NS
N_PER_W = B // NW
CHUNK = 256
NCHUNK = N_PER_W // CHUNK
NBUF = 3


def _make_sc_gather():
    mesh = plsc.VectorSubcoreMesh(
        core_axis_name="c", subcore_axis_name="s",
        num_cores=NC, num_subcores=NS)

    @functools.partial(
        pl.kernel,
        mesh=mesh,
        compiler_params=pltpu.CompilerParams(
            needs_layout_passes=False, use_tc_tiling_on_sc=False),
        out_type=[jax.ShapeDtypeStruct((B, DP), jnp.float32)] * 5,
        scratch_types=(
            [pltpu.VMEM((N_PER_W,), jnp.int32) for _ in range(5)]
            + [pltpu.VMEM((CHUNK, DP), jnp.float32) for _ in range(NBUF)]
            + [pltpu.SemaphoreType.DMA for _ in range(2 * NBUF + 1)]
        ),
    )
    def kern(gx_h, gy_h, day_h, hour_h, time_h,
             wgx_h, wgy_h, wday_h, whour_h, wtime_h,
             ogx, ogy, oday, ohour, otime,
             *scratch):
        idxs = scratch[:5]
        bufs = scratch[5:5 + NBUF]
        gsems = scratch[5 + NBUF:5 + 2 * NBUF]
        wsems = scratch[5 + 2 * NBUF:5 + 3 * NBUF]
        isem = scratch[5 + 3 * NBUF]
        wid = lax.axis_index("s") * NC + lax.axis_index("c")
        base = wid * N_PER_W
        streams = (
            (gx_h, wgx_h, ogx),
            (gy_h, wgy_h, ogy),
            (day_h, wday_h, oday),
            (hour_h, whour_h, ohour),
            (time_h, wtime_h, otime),
        )
        iloads = [
            pltpu.async_copy(streams[s][0].at[pl.ds(base, N_PER_W)],
                             idxs[s], isem)
            for s in range(5)
        ]
        for h in iloads:
            h.wait()
        for s, nrows, nrep in ((0, 256, 8), (1, 256, 8), (2, 7, 32),
                               (3, 24, 32), (4, 287, 16)):
            off = lax.rem(wid, nrep) * nrows
            for k in range(N_PER_W // 16):
                idxs[s][pl.ds(16 * k, 16)] = idxs[s][pl.ds(16 * k, 16)] + off
        units = [(c, s) for c in range(NCHUNK) for s in range(5)]
        nu = len(units)
        LAG = 1
        gh = [None] * nu
        wh = [None] * nu
        for u in range(nu + LAG):
            if u < nu:
                c, s = units[u]
                b = u % NBUF
                if u >= NBUF:
                    wh[u - NBUF].wait()
                gh[u] = pltpu.async_copy(
                    streams[s][1].at[idxs[s].at[pl.ds(c * CHUNK, CHUNK)]],
                    bufs[b], gsems[b])
            if u >= LAG:
                up = u - LAG
                cp, sp = units[up]
                gh[up].wait()
                wh[up] = pltpu.async_copy(
                    bufs[up % NBUF],
                    streams[sp][2].at[pl.ds(base + cp * CHUNK, CHUNK)],
                    wsems[up % NBUF])
        for u in range(max(0, nu - NBUF), nu):
            wh[u].wait()

    return kern


_sc_gather = _make_sc_gather()

_TC_BLK = 1024


def _tc_concat_body(gx_ref, gy_ref, day_ref, hour_ref, time_ref,
                    sp_ref, tp_ref):
    sp_ref[...] = jnp.concatenate(
        [gx_ref[:, :D], gy_ref[:, :D]], axis=1)
    tp_ref[...] = jnp.concatenate(
        [day_ref[:, :D], hour_ref[:, :D], time_ref[:, :D]], axis=1)


_tc_concat = pl.pallas_call(
    _tc_concat_body,
    grid=(B // _TC_BLK,),
    in_specs=[pl.BlockSpec((_TC_BLK, DP), lambda i: (i, 0))] * 5,
    out_specs=[
        pl.BlockSpec((_TC_BLK, 2 * D), lambda i: (i, 0)),
        pl.BlockSpec((_TC_BLK, 3 * D), lambda i: (i, 0)),
    ],
    out_shape=[
        jax.ShapeDtypeStruct((B, 2 * D), jnp.float32),
        jax.ShapeDtypeStruct((B, 3 * D), jnp.float32),
    ],
)


def kernel(stats, day_bin, hour_bin, time_bin, G_X, G_Y,
           W_G_X, W_G_Y, W_day, W_hour, W_time):
    del stats
    pad = lambda w: jnp.pad(w, ((0, 0), (0, DP - D)))
    gxr, gyr, dayr, hourr, timer = _sc_gather(
        G_X.astype(jnp.int32), G_Y.astype(jnp.int32),
        day_bin.astype(jnp.int32), hour_bin.astype(jnp.int32),
        time_bin.astype(jnp.int32),
        jnp.tile(pad(W_G_X), (8, 1)), jnp.tile(pad(W_G_Y), (8, 1)),
        jnp.tile(pad(W_day), (NW, 1)), jnp.tile(pad(W_hour), (NW, 1)),
        jnp.tile(pad(W_time), (16, 1)),
    )
    return tuple(_tc_concat(gxr, gyr, dayr, hourr, timer))

# --- scband reference (transcript-rebuilt; emitter-appended) ---
"""Pipeline reference for scband-spatial-temporal-64252710748755 (READ-ONLY COPY).

The authoritative reference and input builder live on the scoring server;
editing this copy changes nothing except your own understanding.
"""

import jax, jax.numpy as jnp
import numpy as np

B = 16384

SPATIAL = [("G_X", 256, 100), ("G_Y", 256, 100)]
TEMPORAL = [("day_bin", 7, 100), ("hour_bin", 24, 100), ("time_bin", 287, 100)]


def setup_inputs(seed: int = 0) -> dict:
    key = jax.random.key(seed)
    ks = jax.random.split(key, 12)
    inp = {}
    inp["stats"] = jax.random.normal(ks[0], (B, 8), dtype=jnp.float32)
    inp["day_bin"] = jax.random.randint(ks[1], (B,), 0, 7, dtype=jnp.int64 if jax.config.jax_enable_x64 else jnp.int32)
    inp["hour_bin"] = jax.random.randint(ks[2], (B,), 0, 24)
    inp["time_bin"] = jax.random.randint(ks[3], (B,), 0, 287)
    inp["G_X"] = jax.random.randint(ks[4], (B,), 0, 256)
    inp["G_Y"] = jax.random.randint(ks[5], (B,), 0, 256)
    # Embedding tables, init uniform(-1, 1) like the torch module
    inp["W_G_X"] = jax.random.uniform(ks[6], (256, 100), dtype=jnp.float32, minval=-1.0, maxval=1.0)
    inp["W_G_Y"] = jax.random.uniform(ks[7], (256, 100), dtype=jnp.float32, minval=-1.0, maxval=1.0)
    inp["W_day"] = jax.random.uniform(ks[8], (7, 100), dtype=jnp.float32, minval=-1.0, maxval=1.0)
    inp["W_hour"] = jax.random.uniform(ks[9], (24, 100), dtype=jnp.float32, minval=-1.0, maxval=1.0)
    inp["W_time"] = jax.random.uniform(ks[10], (287, 100), dtype=jnp.float32, minval=-1.0, maxval=1.0)
    return inp


def reference(stats, day_bin, hour_bin, time_bin, G_X, G_Y, W_G_X, W_G_Y, W_day, W_hour, W_time):
    # temporal lookups -> V_tp = concat(day, hour, time) along feature dim
    v_day = jnp.take(W_day, day_bin, axis=0)
    v_hour = jnp.take(W_hour, hour_bin, axis=0)
    v_time = jnp.take(W_time, time_bin, axis=0)
    V_tp = jnp.concatenate([v_day, v_hour, v_time], axis=1)
    # spatial lookups -> V_sp = concat(G_X, G_Y)
    v_gx = jnp.take(W_G_X, G_X, axis=0)
    v_gy = jnp.take(W_G_Y, G_Y, axis=0)
    V_sp = jnp.concatenate([v_gx, v_gy], axis=1)
    return (V_sp, V_tp)

if __name__ == "__main__":
    import jax
    _d = setup_inputs()
    print(jax.jit(kernel)(*tuple(_d.values())))

</pallas_src>

<mosaic_0001>
#map = affine_map<(d0, d1) -> (0)>
#map1 = affine_map<(d0, d1) -> (0, 0)>
module attributes {stable_mosaic.version = 14 : i64} {
  func.func @kern(%arg0: i32, %arg1: i32, %arg2: memref<16384xi32, #tpu.memory_space<hbm>>, %arg3: memref<16384xi32, #tpu.memory_space<hbm>>, %arg4: memref<16384xi32, #tpu.memory_space<hbm>>, %arg5: memref<16384xi32, #tpu.memory_space<hbm>>, %arg6: memref<16384xi32, #tpu.memory_space<hbm>>, %arg7: memref<2048x128xf32, #tpu.memory_space<hbm>>, %arg8: memref<2048x128xf32, #tpu.memory_space<hbm>>, %arg9: memref<224x128xf32, #tpu.memory_space<hbm>>, %arg10: memref<768x128xf32, #tpu.memory_space<hbm>>, %arg11: memref<4592x128xf32, #tpu.memory_space<hbm>>, %arg12: memref<16384x128xf32, #tpu.memory_space<hbm>>, %arg13: memref<16384x128xf32, #tpu.memory_space<hbm>>, %arg14: memref<16384x128xf32, #tpu.memory_space<hbm>>, %arg15: memref<16384x128xf32, #tpu.memory_space<hbm>>, %arg16: memref<16384x128xf32, #tpu.memory_space<hbm>>, %arg17: memref<512xi32, #tpu.memory_space<vmem>>, %arg18: memref<512xi32, #tpu.memory_space<vmem>>, %arg19: memref<512xi32, #tpu.memory_space<vmem>>, %arg20: memref<512xi32, #tpu.memory_space<vmem>>, %arg21: memref<512xi32, #tpu.memory_space<vmem>>, %arg22: memref<256x128xf32, #tpu.memory_space<vmem>>, %arg23: memref<256x128xf32, #tpu.memory_space<vmem>>, %arg24: memref<256x128xf32, #tpu.memory_space<vmem>>, %arg25: memref<!tpu.dma_semaphore, #tpu.memory_space<semaphore_mem>>, %arg26: memref<!tpu.dma_semaphore, #tpu.memory_space<semaphore_mem>>, %arg27: memref<!tpu.dma_semaphore, #tpu.memory_space<semaphore_mem>>, %arg28: memref<!tpu.dma_semaphore, #tpu.memory_space<semaphore_mem>>, %arg29: memref<!tpu.dma_semaphore, #tpu.memory_space<semaphore_mem>>, %arg30: memref<!tpu.dma_semaphore, #tpu.memory_space<semaphore_mem>>, %arg31: memref<!tpu.dma_semaphore, #tpu.memory_space<semaphore_mem>>) attributes {dimension_semantics = [#tpu.dimension_semantics<core_parallel>, #tpu.dimension_semantics<subcore_parallel>], iteration_bounds = array<i64: 2, 16>, scalar_prefetch = 0 : i64, scratch_operands = 15 : i64, tpu.core_type = #tpu.core_type<sc_vector_subcore>, window_params = [{transform_indices = #map}, {transform_indices = #map}, {transform_indices = #map}, {transform_indices = #map}, {transform_indices = #map}, {transform_indices = #map1}, {transform_indices = #map1}, {transform_indices = #map1}, {transform_indices = #map1}, {transform_indices = #map1}, {transform_indices = #map1}, {transform_indices = #map1}, {transform_indices = #map1}, {transform_indices = #map1}, {transform_indices = #map1}]} {
    %mul3A = arith.constant 2 : i32
    %mul3A_0 = arith.muli %arg1, %mul3A : i32
    %add3A = arith.addi %mul3A_0, %arg0 : i32
    %mul3A_1 = arith.constant 512 : i32
    %mul3A_2 = arith.muli %add3A, %mul3A_1 : i32
    %dma_start3A = tpu.memref_slice %arg2[%mul3A_2] : memref<16384xi32, #tpu.memory_space<hbm>> -> memref<512xi32, #tpu.memory_space<hbm>>
    %dma_start3A_3 = tpu.memref_slice %arg2[%mul3A_2] : memref<16384xi32, #tpu.memory_space<hbm>> -> memref<512xi32, #tpu.memory_space<hbm>>
    tpu.enqueue_dma source(%dma_start3A_3 : memref<512xi32, #tpu.memory_space<hbm>>) target(%arg17 : memref<512xi32, #tpu.memory_space<vmem>>) target_semaphore(%arg31 : memref<!tpu.dma_semaphore, #tpu.memory_space<semaphore_mem>>)
    %dma_start3A_4 = tpu.memref_slice %arg3[%mul3A_2] : memref<16384xi32, #tpu.memory_space<hbm>> -> memref<512xi32, #tpu.memory_space<hbm>>
    %dma_start3A_5 = tpu.memref_slice %arg3[%mul3A_2] : memref<16384xi32, #tpu.memory_space<hbm>> -> memref<512xi32, #tpu.memory_space<hbm>>
    tpu.enqueue_dma source(%dma_start3A_5 : memref<512xi32, #tpu.memory_space<hbm>>) target(%arg18 : memref<512xi32, #tpu.memory_space<vmem>>) target_semaphore(%arg31 : memref<!tpu.dma_semaphore, #tpu.memory_space<semaphore_mem>>)
    %dma_start3A_6 = tpu.memref_slice %arg4[%mul3A_2] : memref<16384xi32, #tpu.memory_space<hbm>> -> memref<512xi32, #tpu.memory_space<hbm>>
    %dma_start3A_7 = tpu.memref_slice %arg4[%mul3A_2] : memref<16384xi32, #tpu.memory_space<hbm>> -> memref<512xi32, #tpu.memory_space<hbm>>
    tpu.enqueue_dma source(%dma_start3A_7 : memref<512xi32, #tpu.memory_space<hbm>>) target(%arg19 : memref<512xi32, #tpu.memory_space<vmem>>) target_semaphore(%arg31 : memref<!tpu.dma_semaphore, #tpu.memory_space<semaphore_mem>>)
    %dma_start3A_8 = tpu.memref_slice %arg5[%mul3A_2] : memref<16384xi32, #tpu.memory_space<hbm>> -> memref<512xi32, #tpu.memory_space<hbm>>
    %dma_start3A_9 = tpu.memref_slice %arg5[%mul3A_2] : memref<16384xi32, #tpu.memory_space<hbm>> -> memref<512xi32, #tpu.memory_space<hbm>>
    tpu.enqueue_dma source(%dma_start3A_9 : memref<512xi32, #tpu.memory_space<hbm>>) target(%arg20 : memref<512xi32, #tpu.memory_space<vmem>>) target_semaphore(%arg31 : memref<!tpu.dma_semaphore, #tpu.memory_space<semaphore_mem>>)
    %dma_start3A_10 = tpu.memref_slice %arg6[%mul3A_2] : memref<16384xi32, #tpu.memory_space<hbm>> -> memref<512xi32, #tpu.memory_space<hbm>>
    %dma_start3A_11 = tpu.memref_slice %arg6[%mul3A_2] : memref<16384xi32, #tpu.memory_space<hbm>> -> memref<512xi32, #tpu.memory_space<hbm>>
    tpu.enqueue_dma source(%dma_start3A_11 : memref<512xi32, #tpu.memory_space<hbm>>) target(%arg21 : memref<512xi32, #tpu.memory_space<vmem>>) target_semaphore(%arg31 : memref<!tpu.dma_semaphore, #tpu.memory_space<semaphore_mem>>)
    %dma_wait3A = tpu.memref_slice %arg2[%mul3A_2] : memref<16384xi32, #tpu.memory_space<hbm>> -> memref<512xi32, #tpu.memory_space<hbm>>
    %dma_wait3A_12 = tpu.memref_slice %arg2[%mul3A_2] : memref<16384xi32, #tpu.memory_space<hbm>> -> memref<512xi32, #tpu.memory_space<hbm>>
    tpu.wait_dma2 semaphore(%arg31 : memref<!tpu.dma_semaphore, #tpu.memory_space<semaphore_mem>>) src(%dma_wait3A_12 : memref<512xi32, #tpu.memory_space<hbm>>) dst(%arg17 : memref<512xi32, #tpu.memory_space<vmem>>)
    %dma_wait3A_13 = tpu.memref_slice %arg3[%mul3A_2] : memref<16384xi32, #tpu.memory_space<hbm>> -> memref<512xi32, #tpu.memory_space<hbm>>
    %dma_wait3A_14 = tpu.memref_slice %arg3[%mul3A_2] : memref<16384xi32, #tpu.memory_space<hbm>> -> memref<512xi32, #tpu.memory_space<hbm>>
    tpu.wait_dma2 semaphore(%arg31 : memref<!tpu.dma_semaphore, #tpu.memory_space<semaphore_mem>>) src(%dma_wait3A_14 : memref<512xi32, #tpu.memory_space<hbm>>) dst(%arg18 : memref<512xi32, #tpu.memory_space<vmem>>)
    %dma_wait3A_15 = tpu.memref_slice %arg4[%mul3A_2] : memref<16384xi32, #tpu.memory_space<hbm>> -> memref<512xi32, #tpu.memory_space<hbm>>
    %dma_wait3A_16 = tpu.memref_slice %arg4[%mul3A_2] : memref<16384xi32, #tpu.memory_space<hbm>> -> memref<512xi32, #tpu.memory_space<hbm>>
    tpu.wait_dma2 semaphore(%arg31 : memref<!tpu.dma_semaphore, #tpu.memory_space<semaphore_mem>>) src(%dma_wait3A_16 : memref<512xi32, #tpu.memory_space<hbm>>) dst(%arg19 : memref<512xi32, #tpu.memory_space<vmem>>)
    %dma_wait3A_17 = tpu.memref_slice %arg5[%mul3A_2] : memref<16384xi32, #tpu.memory_space<hbm>> -> memref<512xi32, #tpu.memory_space<hbm>>
    %dma_wait3A_18 = tpu.memref_slice %arg5[%mul3A_2] : memref<16384xi32, #tpu.memory_space<hbm>> -> memref<512xi32, #tpu.memory_space<hbm>>
    tpu.wait_dma2 semaphore(%arg31 : memref<!tpu.dma_semaphore, #tpu.memory_space<semaphore_mem>>) src(%dma_wait3A_18 : memref<512xi32, #tpu.memory_space<hbm>>) dst(%arg20 : memref<512xi32, #tpu.memory_space<vmem>>)
    %dma_wait3A_19 = tpu.memref_slice %arg6[%mul3A_2] : memref<16384xi32, #tpu.memory_space<hbm>> -> memref<512xi32, #tpu.memory_space<hbm>>
    %dma_wait3A_20 = tpu.memref_slice %arg6[%mul3A_2] : memref<16384xi32, #tpu.memory_space<hbm>> -> memref<512xi32, #tpu.memory_space<hbm>>
    tpu.wait_dma2 semaphore(%arg31 : memref<!tpu.dma_semaphore, #tpu.memory_space<semaphore_mem>>) src(%dma_wait3A_20 : memref<512xi32, #tpu.memory_space<hbm>>) dst(%arg21 : memref<512xi32, #tpu.memory_space<vmem>>)
    %rem3A = arith.constant 8 : i32
    %rem3A_21 = arith.remsi %add3A, %rem3A : i32
    %mul3A_22 = arith.constant 256 : i32
    %mul3A_23 = arith.muli %rem3A_21, %mul3A_22 : i32
    %get3A = arith.constant 0 : index
    %get3A_24 = tpu.vector_load %arg17[%get3A] {strides = array<i32>} : memref<512xi32, #tpu.memory_space<vmem>>, vector<16xi32>,
    %add3A_25 = vector.broadcast %mul3A_23 : i32 to vector<16xi32>
    %add3A_26 = arith.addi %get3A_24, %add3A_25 : vector<16xi32>
    %swap3A = arith.constant 0 : index
    %swap3A_27 = tpu.vector_load %arg17[%swap3A] {strides = array<i32>} : memref<512xi32, #tpu.memory_space<vmem>>, vector<16xi32>,
    tpu.vector_store %arg17[%swap3A], %add3A_26 {strides = array<i32>} : memref<512xi32, #tpu.memory_space<vmem>>, vector<16xi32>,
    %get3A_28 = arith.constant 16 : index
    %get3A_29 = tpu.vector_load %arg17[%get3A_28] {strides = array<i32>} : memref<512xi32, #tpu.memory_space<vmem>>, vector<16xi32>,
    %add3A_30 = vector.broadcast %mul3A_23 : i32 to vector<16xi32>
    %add3A_31 = arith.addi %get3A_29, %add3A_30 : vector<16xi32>
    %swap3A_32 = arith.constant 16 : index
    %swap3A_33 = tpu.vector_load %arg17[%swap3A_32] {strides = array<i32>} : memref<512xi32, #tpu.memory_space<vmem>>, vector<16xi32>,
    tpu.vector_store %arg17[%swap3A_32], %add3A_31 {strides = array<i32>} : memref<512xi32, #tpu.memory_space<vmem>>, vector<16xi32>,
    %get3A_34 = arith.constant 32 : index
    %get3A_35 = tpu.vector_load %arg17[%get3A_34] {strides = array<i32>} : memref<512xi32, #tpu.memory_space<vmem>>, vector<16xi32>,
    %add3A_36 = vector.broadcast %mul3A_23 : i32 to vector<16xi32>
    %add3A_37 = arith.addi %get3A_35, %add3A_36 : vector<16xi32>
    %swap3A_38 = arith.constant 32 : index
    %swap3A_39 = tpu.vector_load %arg17[%swap3A_38] {strides = array<i32>} : memref<512xi32, #tpu.memory_space<vmem>>, vector<16xi32>,
    tpu.vector_store %arg17[%swap3A_38], %add3A_37 {strides = array<i32>} : memref<512xi32, #tpu.memory_space<vmem>>, vector<16xi32>,
    %get3A_40 = arith.constant 48 : index
    %get3A_41 = tpu.vector_load %arg17[%get3A_40] {strides = array<i32>} : memref<512xi32, #tpu.memory_space<vmem>>, vector<16xi32>,
    %add3A_42 = vector.broadcast %mul3A_23 : i32 to vector<16xi32>
    %add3A_43 = arith.addi %get3A_41, %add3A_42 : vector<16xi32>
    %swap3A_44 = arith.constant 48 : index
    %swap3A_45 = tpu.vector_load %arg17[%swap3A_44] {strides = array<i32>} : memref<512xi32, #tpu.memory_space<vmem>>, vector<16xi32>,
    tpu.vector_store %arg17[%swap3A_44], %add3A_43 {strides = array<i32>} : memref<512xi32, #tpu.memory_space<vmem>>, vector<16xi32>,
    %get3A_46 = arith.constant 64 : index
    %get3A_47 = tpu.vector_load %arg17[%get3A_46] {strides = array<i32>} : memref<512xi32, #tpu.memory_space<vmem>>, vector<16xi32>,
    %add3A_48 = vector.broadcast %mul3A_23 : i32 to vector<16xi32>
    %add3A_49 = arith.addi %get3A_47, %add3A_48 : vector<16xi32>
    %swap3A_50 = arith.constant 64 : index
    %swap3A_51 = tpu.vector_load %arg17[%swap3A_50] {strides = array<i32>} : memref<512xi32, #tpu.memory_space<vmem>>, vector<16xi32>,
    tpu.vector_store %arg17[%swap3A_50], %add3A_49 {strides = array<i32>} : memref<512xi32, #tpu.memory_space<vmem>>, vector<16xi32>,
    %get3A_52 = arith.constant 80 : index
    %get3A_53 = tpu.vector_load %arg17[%get3A_52] {strides = array<i32>} : memref<512xi32, #tpu.memory_space<vmem>>, vector<16xi32>,
    %add3A_54 = vector.broadcast %mul3A_23 : i32 to vector<16xi32>
    %add3A_55 = arith.addi %get3A_53, %add3A_54 : vector<16xi32>
    %swap3A_56 = arith.constant 80 : index
    %swap3A_57 = tpu.vector_load %arg17[%swap3A_56] {strides = array<i32>} : memref<512xi32, #tpu.memory_space<vmem>>, vector<16xi32>,
    tpu.vector_store %arg17[%swap3A_56], %add3A_55 {strides = array<i32>} : memref<512xi32, #tpu.memory_space<vmem>>, vector<16xi32>,
    %get3A_58 = arith.constant 96 : index
    %get3A_59 = tpu.vector_load %arg17[%get3A_58] {strides = array<i32>} : memref<512xi32, #tpu.memory_space<vmem>>, vector<16xi32>,
    %add3A_60 = vector.broadcast %mul3A_23 : i32 to vector<16xi32>
    %add3A_61 = arith.addi %get3A_59, %add3A_60 : vector<16xi32>
    %swap3A_62 = arith.constant 96 : index
    %swap3A_63 = tpu.vector_load %arg17[%swap3A_62] {strides = array<i32>} : memref<512xi32, #tpu.memory_space<vmem>>, vector<16xi32>,
    tpu.vector_store %arg17[%swap3A_62], %add3A_61 {strides = array<i32>} : memref<512xi32, #tpu.memory_space<vmem>>, vector<16xi32>,
    %get3A_64 = arith.constant 112 : index
    %get3A_65 = tpu.vector_load %arg17[%get3A_64] {strides = array<i32>} : memref<512xi32, #tpu.memory_space<vmem>>, vector<16xi32>,
    %add3A_66 = vector.broadcast %mul3A_23 : i32 to vector<16xi32>
    %add3A_67 = arith.addi %get3A_65, %add3A_66 : vector<16xi32>
    %swap3A_68 = arith.constant 112 : index
    %swap3A_69 = tpu.vector_load %arg17[%swap3A_68] {strides = array<i32>} : memref<512xi32, #tpu.memory_space<vmem>>, vector<16xi32>,
    tpu.vector_store %arg17[%swap3A_68], %add3A_67 {strides = array<i32>} : memref<512xi32, #tpu.memory_space<vmem>>, vector<16xi32>,
    %get3A_70 = arith.constant 128 : index
    %get3A_71 = tpu.vector_load %arg17[%get3A_70] {strides = array<i32>} : memref<512xi32, #tpu.memory_space<vmem>>, vector<16xi32>,
    %add3A_72 = vector.broadcast %mul3A_23 : i32 to vector<16xi32>
    %add3A_73 = arith.addi %get3A_71, %add3A_72 : vector<16xi32>
    %swap3A_74 = arith.constant 128 : index
    %swap3A_75 = tpu.vector_load %arg17[%swap3A_74] {strides = array<i32>} : memref<512xi32, #tpu.memory_space<vmem>>, vector<16xi32>,
    tpu.vector_store %arg17[%swap3A_74], %add3A_73 {strides = array<i32>} : memref<512xi32, #tpu.memory_space<vmem>>, vector<16xi32>,
    %get3A_76 = arith.constant 144 : index
    %get3A_77 = tpu.vector_load %arg17[%get3A_76] {strides = array<i32>} : memref<512xi32, #tpu.memory_space<vmem>>, vector<16xi32>,
    %add3A_78 = vector.broadcast %mul3A_23 : i32 to vector<16xi32>
    %add3A_79 = arith.addi %get3A_77, %add3A_78 : vector<16xi32>
    %swap3A_80 = arith.constant 144 : index
    %swap3A_81 = tpu.vector_load %arg17[%swap3A_80] {strides = array<i32>} : memref<512xi32, #tpu.memory_space<vmem>>, vector<16xi32>,
    tpu.vector_store %arg17[%swap3A_80], %add3A_79 {strides = array<i32>} : memref<512xi32, #tpu.memory_space<vmem>>, vector<16xi32>,
    %get3A_82 = arith.constant 160 : index
    %get3A_83 = tpu.vector_load %arg17[%get3A_82] {strides = array<i32>} : memref<512xi32, #tpu.memory_space<vmem>>, vector<16xi32>,
    %add3A_84 = vector.broadcast %mul3A_23 : i32 to vector<16xi32>
    %add3A_85 = arith.addi %get3A_83, %add3A_84 : vector<16xi32>
    %swap3A_86 = arith.constant 160 : index
    %swap3A_87 = tpu.vector_load %arg17[%swap3A_86] {strides = array<i32>} : memref<512xi32, #tpu.memory_space<vmem>>, vector<16xi32>,
    tpu.vector_store %arg17[%swap3A_86], %add3A_85 {strides = array<i32>} : memref<512xi32, #tpu.memory_space<vmem>>, vector<16xi32>,
    %get3A_88 = arith.constant 176 : index
    %get3A_89 = tpu.vector_load %arg17[%get3A_88] {strides = array<i32>} : memref<512xi32, #tpu.memory_space<vmem>>, vector<16xi32>,
    %add3A_90 = vector.broadcast %mul3A_23 : i32 to vector<16xi32>
    %add3A_91 = arith.addi %get3A_89, %add3A_90 : vector<16xi32>
    %swap3A_92 = arith.constant 176 : index
    %swap3A_93 = tpu.vector_load %arg17[%swap3A_92] {strides = array<i32>} : memref<512xi32, #tpu.memory_space<vmem>>, vector<16xi32>,
    tpu.vector_store %arg17[%swap3A_92], %add3A_91 {strides = array<i32>} : memref<512xi32, #tpu.memory_space<vmem>>, vector<16xi32>,
    %get3A_94 = arith.constant 192 : index
    %get3A_95 = tpu.vector_load %arg17[%get3A_94] {strides = array<i32>} : memref<512xi32, #tpu.memory_space<vmem>>, vector<16xi32>,
    %add3A_96 = vector.broadcast %mul3A_23 : i32 to vector<16xi32>
    %add3A_97 = arith.addi %get3A_95, %add3A_96 : vector<16xi32>
    %swap3A_98 = arith.constant 192 : index
    %swap3A_99 = tpu.vector_load %arg17[%swap3A_98] {strides = array<i32>} : memref<512xi32, #tpu.memory_space<vmem>>, vector<16xi32>,
    tpu.vector_store %arg17[%swap3A_98], %add3A_97 {strides = array<i32>} : memref<512xi32, #tpu.memory_space<vmem>>, vector<16xi32>,
    %get3A_100 = arith.constant 208 : index
    %get3A_101 = tpu.vector_load %arg17[%get3A_100] {strides = array<i32>} : memref<512xi32, #tpu.memory_space<vmem>>, vector<16xi32>,
    %add3A_102 = vector.broadcast %mul3A_23 : i32 to vector<16xi32>
    %add3A_103 = arith.addi %get3A_101, %add3A_102 : vector<16xi32>
    %swap3A_104 = arith.constant 208 : index
    %swap3A_105 = tpu.vector_load %arg17[%swap3A_104] {strides = array<i32>} : memref<512xi32, #tpu.memory_space<vmem>>, vector<16xi32>,
    tpu.vector_store %arg17[%swap3A_104], %add3A_103 {strides = array<i32>} : memref<512xi32, #tpu.memory_space<vmem>>, vector<16xi32>,
    %get3A_106 = arith.constant 224 : index
    %get3A_107 = tpu.vector_load %arg17[%get3A_106] {strides = array<i32>} : memref<512xi32, #tpu.memory_space<vmem>>, vector<16xi32>,
    %add3A_108 = vector.broadcast %mul3A_23 : i32 to vector<16xi32>
    %add3A_109 = arith.addi %get3A_107, %add3A_108 : vector<16xi32>
    %swap3A_110 = arith.constant 224 : index
    %swap3A_111 = tpu.vector_load %arg17[%swap3A_110] {strides = array<i32>} : memref<512xi32, #tpu.memory_space<vmem>>, vector<16xi32>,
    tpu.vector_store %arg17[%swap3A_110], %add3A_109 {strides = array<i32>} : memref<512xi32, #tpu.memory_space<vmem>>, vector<16xi32>,
    %get3A_112 = arith.constant 240 : index
    %get3A_113 = tpu.vector_load %arg17[%get3A_112] {strides = array<i32>} : memref<512xi32, #tpu.memory_space<vmem>>, vector<16xi32>,
    %add3A_114 = vector.broadcast %mul3A_23 : i32 to vector<16xi32>
    %add3A_115 = arith.addi %get3A_113, %add3A_114 : vector<16xi32>
    %swap3A_116 = arith.constant 240 : index
    %swap3A_117 = tpu.vector_load %arg17[%swap3A_116] {strides = array<i32>} : memref<512xi32, #tpu.memory_space<vmem>>, vector<16xi32>,
    tpu.vector_store %arg17[%swap3A_116], %add3A_115 {strides = array<i32>} : memref<512xi32, #tpu.memory_space<vmem>>, vector<16xi32>,
    %get3A_118 = arith.constant 256 : index
    %get3A_119 = tpu.vector_load %arg17[%get3A_118] {strides = array<i32>} : memref<512xi32, #tpu.memory_space<vmem>>, vector<16xi32>,
    %add3A_120 = vector.broadcast %mul3A_23 : i32 to vector<16xi32>
    %add3A_121 = arith.addi %get3A_119, %add3A_120 : vector<16xi32>
    %swap3A_122 = arith.constant 256 : index
    %swap3A_123 = tpu.vector_load %arg17[%swap3A_122] {strides = array<i32>} : memref<512xi32, #tpu.memory_space<vmem>>, vector<16xi32>,
    tpu.vector_store %arg17[%swap3A_122], %add3A_121 {strides = array<i32>} : memref<512xi32, #tpu.memory_space<vmem>>, vector<16xi32>,
    %get3A_124 = arith.constant 272 : index
    %get3A_125 = tpu.vector_load %arg17[%get3A_124] {strides = array<i32>} : memref<512xi32, #tpu.memory_space<vmem>>, vector<16xi32>,
    %add3A_126 = vector.broadcast %mul3A_23 : i32 to vector<16xi32>
    %add3A_127 = arith.addi %get3A_125, %add3A_126 : vector<16xi32>
    %swap3A_128 = arith.constant 272 : index
    %swap3A_129 = tpu.vector_load %arg17[%swap3A_128] {strides = array<i32>} : memref<512xi32, #tpu.memory_space<vmem>>, vector<16xi32>,
    tpu.vector_store %arg17[%swap3A_128], %add3A_127 {strides = array<i32>} : memref<512xi32, #tpu.memory_space<vmem>>, vector<16xi32>,
    %get3A_130 = arith.constant 288 : index
    %get3A_131 = tpu.vector_load %arg17[%get3A_130] {strides = array<i32>} : memref<512xi32, #tpu.memory_space<vmem>>, vector<16xi32>,
    %add3A_132 = vector.broadcast %mul3A_23 : i32 to vector<16xi32>
    %add3A_133 = arith.addi %get3A_131, %add3A_132 : vector<16xi32>
    %swap3A_134 = arith.constant 288 : index
    %swap3A_135 = tpu.vector_load %arg17[%swap3A_134] {strides = array<i32>} : memref<512xi32, #tpu.memory_space<vmem>>, vector<16xi32>,
    tpu.vector_store %arg17[%swap3A_134], %add3A_133 {strides = array<i32>} : memref<512xi32, #tpu.memory_space<vmem>>, vector<16xi32>,
    %get3A_136 = arith.constant 304 : index
    %get3A_137 = tpu.vector_load %arg17[%get3A_136] {strides = array<i32>} : memref<512xi32, #tpu.memory_space<vmem>>, vector<16xi32>,
    %add3A_138 = vector.broadcast %mul3A_23 : i32 to vector<16xi32>
    %add3A_139 = arith.addi %get3A_137, %add3A_138 : vector<16xi32>
    %swap3A_140 = arith.constant 304 : index
    %swap3A_141 = tpu.vector_load %arg17[%swap3A_140] {strides = array<i32>} : memref<512xi32, #tpu.memory_space<vmem>>, vector<16xi32>,
    tpu.vector_store %arg17[%swap3A_140], %add3A_139 {strides = array<i32>} : memref<512xi32, #tpu.memory_space<vmem>>, vector<16xi32>,
    %get3A_142 = arith.constant 320 : index
    %get3A_143 = tpu.vector_load %arg17[%get3A_142] {strides = array<i32>} : memref<512xi32, #tpu.memory_space<vmem>>, vector<16xi32>,
    %add3A_144 = vector.broadcast %mul3A_23 : i32 to vector<16xi32>
    %add3A_145 = arith.addi %get3A_143, %add3A_144 : vector<16xi32>
    %swap3A_146 = arith.constant 320 : index
    %swap3A_147 = tpu.vector_load %arg17[%swap3A_146] {strides = array<i32>} : memref<512xi32, #tpu.memory_space<vmem>>, vector<16xi32>,
    tpu.vector_store %arg17[%swap3A_146], %add3A_145 {strides = array<i32>} : memref<512xi32, #tpu.memory_space<vmem>>, vector<16xi32>,
    %get3A_148 = arith.constant 336 : index
    %get3A_149 = tpu.vector_load %arg17[%get3A_148] {strides = array<i32>} : memref<512xi32, #tpu.memory_space<vmem>>, vector<16xi32>,
    %add3A_150 = vector.broadcast %mul3A_23 : i32 to vector<16xi32>
    %add3A_151 = arith.addi %get3A_149, %add3A_150 : vector<16xi32>
    %swap3A_152 = arith.constant 336 : index
    %swap3A_153 = tpu.vector_load %arg17[%swap3A_152] {strides = array<i32>} : memref<512xi32, #tpu.memory_space<vmem>>, vector<16xi32>,
    tpu.vector_store %arg17[%swap3A_152], %add3A_151 {strides = array<i32>} : memref<512xi32, #tpu.memory_space<vmem>>, vector<16xi32>,
    %get3A_154 = arith.constant 352 : index
    %get3A_155 = tpu.vector_load %arg17[%get3A_154] {strides = array<i32>} : memref<512xi32, #tpu.memory_space<vmem>>, vector<16xi32>,
    %add3A_156 = vector.broadcast %mul3A_23 : i32 to vector<16xi32>
    %add3A_157 = arith.addi %get3A_155, %add3A_156 : vector<16xi32>
    %swap3A_158 = arith.constant 352 : index
    %swap3A_159 = tpu.vector_load %arg17[%swap3A_158] {strides = array<i32>} : memref<512xi32, #tpu.memory_space<vmem>>, vector<16xi32>,
    tpu.vector_store %arg17[%swap3A_158], %add3A_157 {strides = array<i32>} : memref<512xi32, #tpu.memory_space<vmem>>, vector<16xi32>,
    %get3A_160 = arith.constant 368 : index
    %get3A_161 = tpu.vector_load %arg17[%get3A_160] {strides = array<i32>} : memref<512xi32, #tpu.memory_space<vmem>>, vector<16xi32>,
    %add3A_162 = vector.broadcast %mul3A_23 : i32 to vector<16xi32>
    %add3A_163 = arith.addi %get3A_161, %add3A_162 : vector<16xi32>
    %swap3A_164 = arith.constant 368 : index
    %swap3A_165 = tpu.vector_load %arg17[%swap3A_164] {strides = array<i32>} : memref<512xi32, #tpu.memory_space<vmem>>, vector<16xi32>,
    tpu.vector_store %arg17[%swap3A_164], %add3A_163 {strides = array<i32>} : memref<512xi32, #tpu.memory_space<vmem>>, vector<16xi32>,
    %get3A_166 = arith.constant 384 : index
    %get3A_167 = tpu.vector_load %arg17[%get3A_166] {strides = array<i32>} : memref<512xi32, #tpu.memory_space<vmem>>, vector<16xi32>,
    %add3A_168 = vector.broadcast %mul3A_23 : i32 to vector<16xi32>
    %add3A_169 = arith.addi %get3A_167, %add3A_168 : vector<16xi32>
    %swap3A_170 = arith.constant 384 : index
    %swap3A_171 = tpu.vector_load %arg17[%swap3A_170] {strides = array<i32>} : memref<512xi32, #tpu.memory_space<vmem>>, vector<16xi32>,
    tpu.vector_store %arg17[%swap3A_170], %add3A_169 {strides = array<i32>} : memref<512xi32, #tpu.memory_space<vmem>>, vector<16xi32>,
    %get3A_172 = arith.constant 400 : index
    %get3A_173 = tpu.vector_load %arg17[%get3A_172] {strides = array<i32>} : memref<512xi32, #tpu.memory_space<vmem>>, vector<16xi32>,
    %add3A_174 = vector.broadcast %mul3A_23 : i32 to vector<16xi32>
    %add3A_175 = arith.addi %get3A_173, %add3A_174 : vector<16xi32>
    %swap3A_176 = arith.constant 400 : index
    %swap3A_177 = tpu.vector_load %arg17[%swap3A_176] {strides = array<i32>} : memref<512xi32, #tpu.memory_space<vmem>>, vector<16xi32>,
    tpu.vector_store %arg17[%swap3A_176], %add3A_175 {strides = array<i32>} : memref<512xi32, #tpu.memory_space<vmem>>, vector<16xi32>,
    %get3A_178 = arith.constant 416 : index
    %get3A_179 = tpu.vector_load %arg17[%get3A_178] {strides = array<i32>} : memref<512xi32, #tpu.memory_space<vmem>>, vector<16xi32>,
    %add3A_180 = vector.broadcast %mul3A_23 : i32 to vector<16xi32>
    %add3A_181 = arith.addi %get3A_179, %add3A_180 : vector<16xi32>
    %swap3A_182 = arith.constant 416 : index
    %swap3A_183 = tpu.vector_load %arg17[%swap3A_182] {strides = array<i32>} : memref<512xi32, #tpu.memory_space<vmem>>, vector<16xi32>,
    tpu.vector_store %arg17[%swap3A_182], %add3A_181 {strides = array<i32>} : memref<512xi32, #tpu.memory_space<vmem>>, vector<16xi32>,
    %get3A_184 = arith.constant 432 : index
    %get3A_185 = tpu.vector_load %arg17[%get3A_184] {strides = array<i32>} : memref<512xi32, #tpu.memory_space<vmem>>, vector<16xi32>,
    %add3A_186 = vector.broadcast %mul3A_23 : i32 to vector<16xi32>
    %add3A_187 = arith.addi %get3A_185, %add3A_186 : vector<16xi32>
    %swap3A_188 = arith.constant 432 : index
    %swap3A_189 = tpu.vector_load %arg17[%swap3A_188] {strides = array<i32>} : memref<512xi32, #tpu.memory_space<vmem>>, vector<16xi32>,
    tpu.vector_store %arg17[%swap3A_188], %add3A_187 {strides = array<i32>} : memref<512xi32, #tpu.memory_space<vmem>>, vector<16xi32>,
    %get3A_190 = arith.constant 448 : index
    %get3A_191 = tpu.vector_load %arg17[%get3A_190] {strides = array<i32>} : memref<512xi32, #tpu.memory_space<vmem>>, vector<16xi32>,
    %add3A_192 = vector.broadcast %mul3A_23 : i32 to vector<16xi32>
    %add3A_193 = arith.addi %get3A_191, %add3A_192 : vector<16xi32>
    %swap3A_194 = arith.constant 448 : index
    %swap3A_195 = tpu.vector_load %arg17[%swap3A_194] {strides = array<i32>} : memref<512xi32, #tpu.memory_space<vmem>>, vector<16xi32>,
    tpu.vector_store %arg17[%swap3A_194], %add3A_193 {strides = array<i32>} : memref<512xi32, #tpu.memory_space<vmem>>, vector<16xi32>,
    %get3A_196 = arith.constant 464 : index
    %get3A_197 = tpu.vector_load %arg17[%get3A_196] {strides = array<i32>} : memref<512xi32, #tpu.memory_space<vmem>>, vector<16xi32>,
    %add3A_198 = vector.broadcast %mul3A_23 : i32 to vector<16xi32>
    %add3A_199 = arith.addi %get3A_197, %add3A_198 : vector<16xi32>
    %swap3A_200 = arith.constant 464 : index
    %swap3A_201 = tpu.vector_load %arg17[%swap3A_200] {strides = array<i32>} : memref<512xi32, #tpu.memory_space<vmem>>, vector<16xi32>,
    tpu.vector_store %arg17[%swap3A_200], %add3A_199 {strides = array<i32>} : memref<512xi32, #tpu.memory_space<vmem>>, vector<16xi32>,
    %get3A_202 = arith.constant 480 : index
    %get3A_203 = tpu.vector_load %arg17[%get3A_202] {strides = array<i32>} : memref<512xi32, #tpu.memory_space<vmem>>, vector<16xi32>,
    %add3A_204 = vector.broadcast %mul3A_23 : i32 to vector<16xi32>
    %add3A_205 = arith.addi %get3A_203, %add3A_204 : vector<16xi32>
    %swap3A_206 = arith.constant 480 : index
    %swap3A_207 = tpu.vector_load %arg17[%swap3A_206] {strides = array<i32>} : memref<512xi32, #tpu.memory_space<vmem>>, vector<16xi32>,
    tpu.vector_store %arg17[%swap3A_206], %add3A_205 {strides = array<i32>} : memref<512xi32, #tpu.memory_space<vmem>>, vector<16xi32>,
    %get3A_208 = arith.constant 496 : index
    %get3A_209 = tpu.vector_load %arg17[%get3A_208] {strides = array<i32>} : memref<512xi32, #tpu.memory_space<vmem>>, vector<16xi32>,
    %add3A_210 = vector.broadcast %mul3A_23 : i32 to vector<16xi32>
    %add3A_211 = arith.addi %get3A_209, %add3A_210 : vector<16xi32>
    %swap3A_212 = arith.constant 496 : index
    %swap3A_213 = tpu.vector_load %arg17[%swap3A_212] {strides = array<i32>} : memref<512xi32, #tpu.memory_space<vmem>>, vector<16xi32>,
    tpu.vector_store %arg17[%swap3A_212], %add3A_211 {strides = array<i32>} : memref<512xi32, #tpu.memory_space<vmem>>, vector<16xi32>,
    %rem3A_214 = arith.constant 8 : i32
    %rem3A_215 = arith.remsi %add3A, %rem3A_214 : i32
    %mul3A_216 = arith.constant 256 : i32
    %mul3A_217 = arith.muli %rem3A_215, %mul3A_216 : i32
    %get3A_218 = arith.constant 0 : index
    %get3A_219 = tpu.vector_load %arg18[%get3A_218] {strides = array<i32>} : memref<512xi32, #tpu.memory_space<vmem>>, vector<16xi32>,
    %add3A_220 = vector.broadcast %mul3A_217 : i32 to vector<16xi32>
    %add3A_221 = arith.addi %get3A_219, %add3A_220 : vector<16xi32>
    %swap3A_222 = arith.constant 0 : index
    %swap3A_223 = tpu.vector_load %arg18[%swap3A_222] {strides = array<i32>} : memref<512xi32, #tpu.memory_space<vmem>>, vector<16xi32>,
    tpu.vector_store %arg18[%swap3A_222], %add3A_221 {strides = array<i32>} : memref<512xi32, #tpu.memory_space<vmem>>, vector<16xi32>,
    %get3A_224 = arith.constant 16 : index
    %get3A_225 = tpu.vector_load %arg18[%get3A_224] {strides = array<i32>} : memref<512xi32, #tpu.memory_space<vmem>>, vector<16xi32>,
    %add3A_226 = vector.broadcast %mul3A_217 : i32 to vector<16xi32>
    %add3A_227 = arith.addi %get3A_225, %add3A_226 : vector<16xi32>
    %swap3A_228 = arith.constant 16 : index
    %swap3A_229 = tpu.vector_load %arg18[%swap3A_228] {strides = array<i32>} : memref<512xi32, #tpu.memory_space<vmem>>, vector<16xi32>,
    tpu.vector_store %arg18[%swap3A_228], %add3A_227 {strides = array<i32>} : memref<512xi32, #tpu.memory_space<vmem>>, vector<16xi32>,
    %get3A_230 = arith.constant 32 : index
    %get3A_231 = tpu.vector_load %arg18[%get3A_230] {strides = array<i32>} : memref<512xi32, #tpu.memory_space<vmem>>, vector<16xi32>,
    %add3A_232 = vector.broadcast %mul3A_217 : i32 to vector<16xi32>
    %add3A_233 = arith.addi %get3A_231, %add3A_232 : vector<16xi32>
    %swap3A_234 = arith.constant 32 : index
    %swap3A_235 = tpu.vector_load %arg18[%swap3A_234] {strides = array<i32>} : memref<512xi32, #tpu.memory_space<vmem>>, vector<16xi32>,
    tpu.vector_store %arg18[%swap3A_234], %add3A_233 {strides = array<i32>} : memref<512xi32, #tpu.memory_space<vmem>>, vector<16xi32>,
    %get3A_236 = arith.constant 48 : index
    %get3A_237 = tpu.vector_load %arg18[%get3A_236] {strides = array<i32>} : memref<512xi32, #tpu.memory_space<vmem>>, vector<16xi32>,
    %add3A_238 = vector.broadcast %mul3A_217 : i32 to vector<16xi32>
    %add3A_239 = arith.addi %get3A_237, %add3A_238 : vector<16xi32>
    %swap3A_240 = arith.constant 48 : index
    %swap3A_241 = tpu.vector_load %arg18[%swap3A_240] {strides = array<i32>} : memref<512xi32, #tpu.memory_space<vmem>>, vector<16xi32>,
    tpu.vector_store %arg18[%swap3A_240], %add3A_239 {strides = array<i32>} : memref<512xi32, #tpu.memory_space<vmem>>, vector<16xi32>,
    %get3A_242 = arith.constant 64 : index
    %get3A_243 = tpu.vector_load %arg18[%get3A_242] {strides = array<i32>} : memref<512xi32, #tpu.memory_space<vmem>>, vector<16xi32>,
    %add3A_244 = vector.broadcast %mul3A_217 : i32 to vector<16xi32>
    %add3A_245 = arith.addi %get3A_243, %add3A_244 : vector<16xi32>
    %swap3A_246 = arith.constant 64 : index
    %swap3A_247 = tpu.vector_load %arg18[%swap3A_246] {strides = array<i32>} : memref<512xi32, #tpu.memory_space<vmem>>, vector<16xi32>,
    tpu.vector_store %arg18[%swap3A_246], %add3A_245 {strides = array<i32>} : memref<512xi32, #tpu.memory_space<vmem>>, vector<16xi32>,
    %get3A_248 = arith.constant 80 : index
    %get3A_249 = tpu.vector_load %arg18[%get3A_248] {strides = array<i32>} : memref<512xi32, #tpu.memory_space<vmem>>, vector<16xi32>,
    %add3A_250 = vector.broadcast %mul3A_217 : i32 to vector<16xi32>
    %add3A_251 = arith.addi %get3A_249, %add3A_250 : vector<16xi32>
    %swap3A_252 = arith.constant 80 : index
    %swap3A_253 = tpu.vector_load %arg18[%swap3A_252] {strides = array<i32>} : memref<512xi32, #tpu.memory_space<vmem>>, vector<16xi32>,
    tpu.vector_store %arg18[%swap3A_252], %add3A_251 {strides = array<i32>} : memref<512xi32, #tpu.memory_space<vmem>>, vector<16xi32>,
    %get3A_254 = arith.constant 96 : index
    %get3A_255 = tpu.vector_load %arg18[%get3A_254] {strides = array<i32>} : memref<512xi32, #tpu.memory_space<vmem>>, vector<16xi32>,
    %add3A_256 = vector.broadcast %mul3A_217 : i32 to vector<16xi32>
    %add3A_257 = arith.addi %get3A_255, %add3A_256 : vector<16xi32>
    %swap3A_258 = arith.constant 96 : index
    %swap3A_259 = tpu.vector_load %arg18[%swap3A_258] {strides = array<i32>} : memref<512xi32, #tpu.memory_space<vmem>>, vector<16xi32>,
    tpu.vector_store %arg18[%swap3A_258], %add3A_257 {strides = array<i32>} : memref<512xi32, #tpu.memory_space<vmem>>, vector<16xi32>,
    %get3A_260 = arith.constant 112 : index
    %get3A_261 = tpu.vector_load %arg18[%get3A_260] {strides = array<i32>} : memref<512xi32, #tpu.memory_space<vmem>>, vector<16xi32>,
    %add3A_262 = vector.broadcast %mul3A_217 : i32 to vector<16xi32>
    %add3A_263 = arith.addi %get3A_261, %add3A_262 : vector<16xi32>
    %swap3A_264 = arith.constant 112 : index
    %swap3A_265 = tpu.vector_load %arg18[%swap3A_264] {strides = array<i32>} : memref<512xi32, #tpu.memory_space<vmem>>, vector<16xi32>,
    tpu.vector_store %arg18[%swap3A_264], %add3A_263 {strides = array<i32>} : memref<512xi32, #tpu.memory_space<vmem>>, vector<16xi32>,
    %get3A_266 = arith.constant 128 : index
    %get3A_267 = tpu.vector_load %arg18[%get3A_266] {strides = array<i32>} : memref<512xi32, #tpu.memory_space<vmem>>, vector<16xi32>,
    %add3A_268 = vector.broadcast %mul3A_217 : i32 to vector<16xi32>
    %add3A_269 = arith.addi %get3A_267, %add3A_268 : vector<16xi32>
    %swap3A_270 = arith.constant 128 : index
    %swap3A_271 = tpu.vector_load %arg18[%swap3A_270] {strides = array<i32>} : memref<512xi32, #tpu.memory_space<vmem>>, vector<16xi32>,
    tpu.vector_store %arg18[%swap3A_270], %add3A_269 {strides = array<i32>} : memref<512xi32, #tpu.memory_space<vmem>>, vector<16xi32>,
    %get3A_272 = arith.constant 144 : index
    %get3A_273 = tpu.vector_load %arg18[%get3A_272] {strides = array<i32>} : memref<512xi32, #tpu.memory_space<vmem>>, vector<16xi32>,
    %add3A_274 = vector.broadcast %mul3A_217 : i32 to vector<16xi32>
    %add3A_275 = arith.addi %get3A_273, %add3A_274 : vector<16xi32>
    %swap3A_276 = arith.constant 144 : index
    %swap3A_277 = tpu.vector_load %arg18[%swap3A_276] {strides = array<i32>} : memref<512xi32, #tpu.memory_space<vmem>>, vector<16xi32>,
    tpu.vector_store %arg18[%swap3A_276], %add3A_275 {strides = array<i32>} : memref<512xi32, #tpu.memory_space<vmem>>, vector<16xi32>,
    %get3A_278 = arith.constant 160 : index
    %get3A_279 = tpu.vector_load %arg18[%get3A_278] {strides = array<i32>} : memref<512xi32, #tpu.memory_space<vmem>>, vector<16xi32>,
    %add3A_280 = vector.broadcast %mul3A_217 : i32 to vector<16xi32>
    %add3A_281 = arith.addi %get3A_279, %add3A_280 : vector<16xi32>
    %swap3A_282 = arith.constant 160 : index
    %swap3A_283 = tpu.vector_load %arg18[%swap3A_282] {strides = array<i32>} : memref<512xi32, #tpu.memory_space<vmem>>, vector<16xi32>,
    tpu.vector_store %arg18[%swap3A_282], %add3A_281 {strides = array<i32>} : memref<512xi32, #tpu.memory_space<vmem>>, vector<16xi32>,
    %get3A_284 = arith.constant 176 : index
    %get3A_285 = tpu.vector_load %arg18[%get3A_284] {strides = array<i32>} : memref<512xi32, #tpu.memory_space<vmem>>, vector<16xi32>,
    %add3A_286 = vector.broadcast %mul3A_217 : i32 to vector<16xi32>
    %add3A_287 = arith.addi %get3A_285, %add3A_286 : vector<16xi32>
    %swap3A_288 = arith.constant 176 : index
    %swap3A_289 = tpu.vector_load %arg18[%swap3A_288] {strides = array<i32>} : memref<512xi32, #tpu.memory_space<vmem>>, vector<16xi32>,
    tpu.vector_store %arg18[%swap3A_288], %add3A_287 {strides = array<i32>} : memref<512xi32, #tpu.memory_space<vmem>>, vector<16xi32>,
    %get3A_290 = arith.constant 192 : index
    %get3A_291 = tpu.vector_load %arg18[%get3A_290] {strides = array<i32>} : memref<512xi32, #tpu.memory_space<vmem>>, vector<16xi32>,
    %add3A_292 = vector.broadcast %mul3A_217 : i32 to vector<16xi32>
    %add3A_293 = arith.addi %get3A_291, %add3A_292 : vector<16xi32>
    %swap3A_294 = arith.constant 192 : index
    %swap3A_295 = tpu.vector_load %arg18[%swap3A_294] {strides = array<i32>} : memref<512xi32, #tpu.memory_space<vmem>>, vector<16xi32>,
    tpu.vector_store %arg18[%swap3A_294], %add3A_293 {strides = array<i32>} : memref<512xi32, #tpu.memory_space<vmem>>, vector<16xi32>,
    %get3A_296 = arith.constant 208 : index
    %get3A_297 = tpu.vector_load %arg18[%get3A_296] {strides = array<i32>} : memref<512xi32, #tpu.memory_space<vmem>>, vector<16xi32>,
    %add3A_298 = vector.broadcast %mul3A_217 : i32 to vector<16xi32>
    %add3A_299 = arith.addi %get3A_297, %add3A_298 : vector<16xi32>
    %swap3A_300 = arith.constant 208 : index
    %swap3A_301 = tpu.vector_load %arg18[%swap3A_300] {strides = array<i32>} : memref<512xi32, #tpu.memory_space<vmem>>, vector<16xi32>,
    tpu.vector_store %arg18[%swap3A_300], %add3A_299 {strides = array<i32>} : memref<512xi32, #tpu.memory_space<vmem>>, vector<16xi32>,
    %get3A_302 = arith.constant 224 : index
    %get3A_303 = tpu.vector_load %arg18[%get3A_302] {strides = array<i32>} : memref<512xi32, #tpu.memory_space<vmem>>, vector<16xi32>,
    %add3A_304 = vector.broadcast %mul3A_217 : i32 to vector<16xi32>
    %add3A_305 = arith.addi %get3A_303, %add3A_304 : vector<16xi32>
    %swap3A_306 = arith.constant 224 : index
    %swap3A_307 = tpu.vector_load %arg18[%swap3A_306] {strides = array<i32>} : memref<512xi32, #tpu.memory_space<vmem>>, vector<16xi32>,
    tpu.vector_store %arg18[%swap3A_306], %add3A_305 {strides = array<i32>} : memref<512xi32, #tpu.memory_space<vmem>>, vector<16xi32>,
    %get3A_308 = arith.constant 240 : index
    %get3A_309 = tpu.vector_load %arg18[%get3A_308] {strides = array<i32>} : memref<512xi32, #tpu.memory_space<vmem>>, vector<16xi32>,
    %add3A_310 = vector.broadcast %mul3A_217 : i32 to vector<16xi32>
    %add3A_311 = arith.addi %get3A_309, %add3A_310 : vector<16xi32>
    %swap3A_312 = arith.constant 240 : index
    %swap3A_313 = tpu.vector_load %arg18[%swap3A_312] {strides = array<i32>} : memref<512xi32, #tpu.memory_space<vmem>>, vector<16xi32>,
    tpu.vector_store %arg18[%swap3A_312], %add3A_311 {strides = array<i32>} : memref<512xi32, #tpu.memory_space<vmem>>, vector<16xi32>,
    %get3A_314 = arith.constant 256 : index
    %get3A_315 = tpu.vector_load %arg18[%get3A_314] {strides = array<i32>} : memref<512xi32, #tpu.memory_space<vmem>>, vector<16xi32>,
    %add3A_316 = vector.broadcast %mul3A_217 : i32 to vector<16xi32>
    %add3A_317 = arith.addi %get3A_315, %add3A_316 : vector<16xi32>
    %swap3A_318 = arith.constant 256 : index
    %swap3A_319 = tpu.vector_load %arg18[%swap3A_318] {strides = array<i32>} : memref<512xi32, #tpu.memory_space<vmem>>, vector<16xi32>,
    tpu.vector_store %arg18[%swap3A_318], %add3A_317 {strides = array<i32>} : memref<512xi32, #tpu.memory_space<vmem>>, vector<16xi32>,
    %get3A_320 = arith.constant 272 : index
    %get3A_321 = tpu.vector_load %arg18[%get3A_320] {strides = array<i32>} : memref<512xi32, #tpu.memory_space<vmem>>, vector<16xi32>,
    %add3A_322 = vector.broadcast %mul3A_217 : i32 to vector<16xi32>
    %add3A_323 = arith.addi %get3A_321, %add3A_322 : vector<16xi32>
    %swap3A_324 = arith.constant 272 : index
    %swap3A_325 = tpu.vector_load %arg18[%swap3A_324] {strides = array<i32>} : memref<512xi32, #tpu.memory_space<vmem>>, vector<16xi32>,
    tpu.vector_store %arg18[%swap3A_324], %add3A_323 {strides = array<i32>} : memref<512xi32, #tpu.memory_space<vmem>>, vector<16xi32>,
    %get3A_326 = arith.constant 288 : index
    %get3A_327 = tpu.vector_load %arg18[%get3A_326] {strides = array<i32>} : memref<512xi32, #tpu.memory_space<vmem>>, vector<16xi32>,
    %add3A_328 = vector.broadcast %mul3A_217 : i32 to vector<16xi32>
    %add3A_329 = arith.addi %get3A_327, %add3A_328 : vector<16xi32>
    %swap3A_330 = arith.constant 288 : index
    %swap3A_331 = tpu.vector_load %arg18[%swap3A_330] {strides = array<i32>} : memref<512xi32, #tpu.memory_space<vmem>>, vector<16xi32>,
    tpu.vector_store %arg18[%swap3A_330], %add3A_329 {strides = array<i32>} : memref<512xi32, #tpu.memory_space<vmem>>, vector<16xi32>,
    %get3A_332 = arith.constant 304 : index
    %get3A_333 = tpu.vector_load %arg18[%get3A_332] {strides = array<i32>} : memref<512xi32, #tpu.memory_space<vmem>>, vector<16xi32>,
    %add3A_334 = vector.broadcast %mul3A_217 : i32 to vector<16xi32>
    %add3A_335 = arith.addi %get3A_333, %add3A_334 : vector<16xi32>
    %swap3A_336 = arith.constant 304 : index
    %swap3A_337 = tpu.vector_load %arg18[%swap3A_336] {strides = array<i32>} : memref<512xi32, #tpu.memory_space<vmem>>, vector<16xi32>,
    tpu.vector_store %arg18[%swap3A_336], %add3A_335 {strides = array<i32>} : memref<512xi32, #tpu.memory_space<vmem>>, vector<16xi32>,
    %get3A_338 = arith.constant 320 : index
    %get3A_339 = tpu.vector_load %arg18[%get3A_338] {strides = array<i32>} : memref<512xi32, #tpu.memory_space<vmem>>, vector<16xi32>,
    %add3A_340 = vector.broadcast %mul3A_217 : i32 to vector<16xi32>
    %add3A_341 = arith.addi %get3A_339, %add3A_340 : vector<16xi32>
    %swap3A_342 = arith.constant 320 : index
    %swap3A_343 = tpu.vector_load %arg18[%swap3A_342] {strides = array<i32>} : memref<512xi32, #tpu.memory_space<vmem>>, vector<16xi32>,
    tpu.vector_store %arg18[%swap3A_342], %add3A_341 {strides = array<i32>} : memref<512xi32, #tpu.memory_space<vmem>>, vector<16xi32>,
    %get3A_344 = arith.constant 336 : index
    %get3A_345 = tpu.vector_load %arg18[%get3A_344] {strides = array<i32>} : memref<512xi32, #tpu.memory_space<vmem>>, vector<16xi32>,
    %add3A_346 = vector.broadcast %mul3A_217 : i32 to vector<16xi32>
    %add3A_347 = arith.addi %get3A_345, %add3A_346 : vector<16xi32>
    %swap3A_348 = arith.constant 336 : index
    %swap3A_349 = tpu.vector_load %arg18[%swap3A_348] {strides = array<i32>} : memref<512xi32, #tpu.memory_space<vmem>>, vector<16xi32>,
    tpu.vector_store %arg18[%swap3A_348], %add3A_347 {strides = array<i32>} : memref<512xi32, #tpu.memory_space<vmem>>, vector<16xi32>,
    %get3A_350 = arith.constant 352 : index
    %get3A_351 = tpu.vector_load %arg18[%get3A_350] {strides = array<i32>} : memref<512xi32, #tpu.memory_space<vmem>>, vector<16xi32>,
    %add3A_352 = vector.broadcast %mul3A_217 : i32 to vector<16xi32>
    %add3A_353 = arith.addi %get3A_351, %add3A_352 : vector<16xi32>
    %swap3A_354 = arith.constant 352 : index
    %swap3A_355 = tpu.vector_load %arg18[%swap3A_354] {strides = array<i32>} : memref<512xi32, #tpu.memory_space<vmem>>, vector<16xi32>,
    tpu.vector_store %arg18[%swap3A_354], %add3A_353 {strides = array<i32>} : memref<512xi32, #tpu.memory_space<vmem>>, vector<16xi32>,
    %get3A_356 = arith.constant 368 : index
    %get3A_357 = tpu.vector_load %arg18[%get3A_356] {strides = array<i32>} : memref<512xi32, #tpu.memory_space<vmem>>, vector<16xi32>,
    %add3A_358 = vector.broadcast %mul3A_217 : i32 to vector<16xi32>
    %add3A_359 = arith.addi %get3A_357, %add3A_358 : vector<16xi32>
    %swap3A_360 = arith.constant 368 : index
    %swap3A_361 = tpu.vector_load %arg18[%swap3A_360] {strides = array<i32>} : memref<512xi32, #tpu.memory_space<vmem>>, vector<16xi32>,
    tpu.vector_store %arg18[%swap3A_360], %add3A_359 {strides = array<i32>} : memref<512xi32, #tpu.memory_space<vmem>>, vector<16xi32>,
    %get3A_362 = arith.constant 384 : index
    %get3A_363 = tpu.vector_load %arg18[%get3A_362] {strides = array<i32>} : memref<512xi32, #tpu.memory_space<vmem>>, vector<16xi32>,
    %add3A_364 = vector.broadcast %mul3A_217 : i32 to vector<16xi32>
    %add3A_365 = arith.addi %get3A_363, %add3A_364 : vector<16xi32>
    %swap3A_366 = arith.constant 384 : index
    %swap3A_367 = tpu.vector_load %arg18[%swap3A_366] {strides = array<i32>} : memref<512xi32, #tpu.memory_space<vmem>>, vector<16xi32>,
    tpu.vector_store %arg18[%swap3A_366], %add3A_365 {strides = array<i32>} : memref<512xi32, #tpu.memory_space<vmem>>, vector<16xi32>,
    %get3A_368 = arith.constant 400 : index
    %get3A_369 = tpu.vector_load %arg18[%get3A_368] {strides = array<i32>} : memref<512xi32, #tpu.memory_space<vmem>>, vector<16xi32>,
    %add3A_370 = vector.broadcast %mul3A_217 : i32 to vector<16xi32>
    %add3A_371 = arith.addi %get3A_369, %add3A_370 : vector<16xi32>
    %swap3A_372 = arith.constant 400 : index
    %swap3A_373 = tpu.vector_load %arg18[%swap3A_372] {strides = array<i32>} : memref<512xi32, #tpu.memory_space<vmem>>, vector<16xi32>,
    tpu.vector_store %arg18[%swap3A_372], %add3A_371 {strides = array<i32>} : memref<512xi32, #tpu.memory_space<vmem>>, vector<16xi32>,
    %get3A_374 = arith.constant 416 : index
    %get3A_375 = tpu.vector_load %arg18[%get3A_374] {strides = array<i32>} : memref<512xi32, #tpu.memory_space<vmem>>, vector<16xi32>,
    %add3A_376 = vector.broadcast %mul3A_217 : i32 to vector<16xi32>
    %add3A_377 = arith.addi %get3A_375, %add3A_376 : vector<16xi32>
    %swap3A_378 = arith.constant 416 : index
    %swap3A_379 = tpu.vector_load %arg18[%swap3A_378] {strides = array<i32>} : memref<512xi32, #tpu.memory_space<vmem>>, vector<16xi32>,
    tpu.vector_store %arg18[%swap3A_378], %add3A_377 {strides = array<i32>} : memref<512xi32, #tpu.memory_space<vmem>>, vector<16xi32>,
    %get3A_380 = arith.constant 432 : index
    %get3A_381 = tpu.vector_load %arg18[%get3A_380] {strides = array<i32>} : memref<512xi32, #tpu.memory_space<vmem>>, vector<16xi32>,
    %add3A_382 = vector.broadcast %mul3A_217 : i32 to vector<16xi32>
    %add3A_383 = arith.addi %get3A_381, %add3A_382 : vector<16xi32>
    %swap3A_384 = arith.constant 432 : index
    %swap3A_385 = tpu.vector_load %arg18[%swap3A_384] {strides = array<i32>} : memref<512xi32, #tpu.memory_space<vmem>>, vector<16xi32>,
    tpu.vector_store %arg18[%swap3A_384], %add3A_383 {strides = array<i32>} : memref<512xi32, #tpu.memory_space<vmem>>, vector<16xi32>,
    %get3A_386 = arith.constant 448 : index
    %get3A_387 = tpu.vector_load %arg18[%get3A_386] {strides = array<i32>} : memref<512xi32, #tpu.memory_space<vmem>>, vector<16xi32>,
    %add3A_388 = vector.broadcast %mul3A_217 : i32 to vector<16xi32>
    %add3A_389 = arith.addi %get3A_387, %add3A_388 : vector<16xi32>
    %swap3A_390 = arith.constant 448 : index
    %swap3A_391 = tpu.vector_load %arg18[%swap3A_390] {strides = array<i32>} : memref<512xi32, #tpu.memory_space<vmem>>, vector<16xi32>,
    tpu.vector_store %arg18[%swap3A_390], %add3A_389 {strides = array<i32>} : memref<512xi32, #tpu.memory_space<vmem>>, vector<16xi32>,
    %get3A_392 = arith.constant 464 : index
    %get3A_393 = tpu.vector_load %arg18[%get3A_392] {strides = array<i32>} : memref<512xi32, #tpu.memory_space<vmem>>, vector<16xi32>,
    %add3A_394 = vector.broadcast %mul3A_217 : i32 to vector<16xi32>
    %add3A_395 = arith.addi %get3A_393, %add3A_394 : vector<16xi32>
    %swap3A_396 = arith.constant 464 : index
    %swap3A_397 = tpu.vector_load %arg18[%swap3A_396] {strides = array<i32>} : memref<512xi32, #tpu.memory_space<vmem>>, vector<16xi32>,
    tpu.vector_store %arg18[%swap3A_396], %add3A_395 {strides = array<i32>} : memref<512xi32, #tpu.memory_space<vmem>>, vector<16xi32>,
    %get3A_398 = arith.constant 480 : index
    %get3A_399 = tpu.vector_load %arg18[%get3A_398] {strides = array<i32>} : memref<512xi32, #tpu.memory_space<vmem>>, vector<16xi32>,
    %add3A_400 = vector.broadcast %mul3A_217 : i32 to vector<16xi32>
    %add3A_401 = arith.addi %get3A_399, %add3A_400 : vector<16xi32>
    %swap3A_402 = arith.constant 480 : index
    %swap3A_403 = tpu.vector_load %arg18[%swap3A_402] {strides = array<i32>} : memref<512xi32, #tpu.memory_space<vmem>>, vector<16xi32>,
    tpu.vector_store %arg18[%swap3A_402], %add3A_401 {strides = array<i32>} : memref<512xi32, #tpu.memory_space<vmem>>, vector<16xi32>,
    %get3A_404 = arith.constant 496 : index
    %get3A_405 = tpu.vector_load %arg18[%get3A_404] {strides = array<i32>} : memref<512xi32, #tpu.memory_space<vmem>>, vector<16xi32>,
    %add3A_406 = vector.broadcast %mul3A_217 : i32 to vector<16xi32>
    %add3A_407 = arith.addi %get3A_405, %add3A_406 : vector<16xi32>
    %swap3A_408 = arith.constant 496 : index
    %swap3A_409 = tpu.vector_load %arg18[%swap3A_408] {strides = array<i32>} : memref<512xi32, #tpu.memory_space<vmem>>, vector<16xi32>,
    tpu.vector_store %arg18[%swap3A_408], %add3A_407 {strides = array<i32>} : memref<512xi32, #tpu.memory_space<vmem>>, vector<16xi32>,
    %rem3A_410 = arith.constant 32 : i32
    %rem3A_411 = arith.remsi %add3A, %rem3A_410 : i32
    %mul3A_412 = arith.constant 7 : i32
    %mul3A_413 = arith.muli %rem3A_411, %mul3A_412 : i32
    %get3A_414 = arith.constant 0 : index
    %get3A_415 = tpu.vector_load %arg19[%get3A_414] {strides = array<i32>} : memref<512xi32, #tpu.memory_space<vmem>>, vector<16xi32>,
    %add3A_416 = vector.broadcast %mul3A_413 : i32 to vector<16xi32>
    %add3A_417 = arith.addi %get3A_415, %add3A_416 : vector<16xi32>
    %swap3A_418 = arith.constant 0 : index
    %swap3A_419 = tpu.vector_load %arg19[%swap3A_418] {strides = array<i32>} : memref<512xi32, #tpu.memory_space<vmem>>, vector<16xi32>,
    tpu.vector_store %arg19[%swap3A_418], %add3A_417 {strides = array<i32>} : memref<512xi32, #tpu.memory_space<vmem>>, vector<16xi32>,
    %get3A_420 = arith.constant 16 : index
    %get3A_421 = tpu.vector_load %arg19[%get3A_420] {strides = array<i32>} : memref<512xi32, #tpu.memory_space<vmem>>, vector<16xi32>,
    %add3A_422 = vector.broadcast %mul3A_413 : i32 to vector<16xi32>
    %add3A_423 = arith.addi %get3A_421, %add3A_422 : vector<16xi32>
    %swap3A_424 = arith.constant 16 : index
    %swap3A_425 = tpu.vector_load %arg19[%swap3A_424] {strides = array<i32>} : memref<512xi32, #tpu.memory_space<vmem>>, vector<16xi32>,
    tpu.vector_store %arg19[%swap3A_424], %add3A_423 {strides = array<i32>} : memref<512xi32, #tpu.memory_space<vmem>>, vector<16xi32>,
    %get3A_426 = arith.constant 32 : index
    %get3A_427 = tpu.vector_load %arg19[%get3A_426] {strides = array<i32>} : memref<512xi32, #tpu.memory_space<vmem>>, vector<16xi32>,
    %add3A_428 = vector.broadcast %mul3A_413 : i32 to vector<16xi32>
    %add3A_429 = arith.addi %get3A_427, %add3A_428 : vector<16xi32>
    %swap3A_430 = arith.constant 32 : index
    %swap3A_431 = tpu.vector_load %arg19[%swap3A_430] {strides = array<i32>} : memref<512xi32, #tpu.memory_space<vmem>>, vector<16xi32>,
    tpu.vector_store %arg19[%swap3A_430], %add3A_429 {strides = array<i32>} : memref<512xi32, #tpu.memory_space<vmem>>, vector<16xi32>,
    %get3A_432 = arith.constant 48 : index
    %get3A_433 = tpu.vector_load %arg19[%get3A_432] {strides = array<i32>} : memref<512xi32, #tpu.memory_space<vmem>>, vector<16xi32>,
    %add3A_434 = vector.broadcast %mul3A_413 : i32 to vector<16xi32>
    %add3A_435 = arith.addi %get3A_433, %add3A_434 : vector<16xi32>
    %swap3A_436 = arith.constant 48 : index
    %swap3A_437 = tpu.vector_load %arg19[%swap3A_436] {strides = array<i32>} : memref<512xi32, #tpu.memory_space<vmem>>, vector<16xi32>,
    tpu.vector_store %arg19[%swap3A_436], %add3A_435 {strides = array<i32>} : memref<512xi32, #tpu.memory_space<vmem>>, vector<16xi32>,
    %get3A_438 = arith.constant 64 : index
    %get3A_439 = tpu.vector_load %arg19[%get3A_438] {strides = array<i32>} : memref<512xi32, #tpu.memory_space<vmem>>, vector<16xi32>,
    %add3A_440 = vector.broadcast %mul3A_413 : i32 to vector<16xi32>
    %add3A_441 = arith.addi %get3A_439, %add3A_440 : vector<16xi32>
    %swap3A_442 = arith.constant 64 : index
    %swap3A_443 = tpu.vector_load %arg19[%swap3A_442] {strides = array<i32>} : memref<512xi32, #tpu.memory_space<vmem>>, vector<16xi32>,
    tpu.vector_store %arg19[%swap3A_442], %add3A_441 {strides = array<i32>} : memref<512xi32, #tpu.memory_space<vmem>>, vector<16xi32>,
    %get3A_444 = arith.constant 80 : index
    %get3A_445 = tpu.vector_load %arg19[%get3A_444] {strides = array<i32>} : memref<512xi32, #tpu.memory_space<vmem>>, vector<16xi32>,
    %add3A_446 = vector.broadcast %mul3A_413 : i32 to vector<16xi32>
    %add3A_447 = arith.addi %get3A_445, %add3A_446 : vector<16xi32>
    %swap3A_448 = arith.constant 80 : index
    %swap3A_449 = tpu.vector_load %arg19[%swap3A_448] {strides = array<i32>} : memref<512xi32, #tpu.memory_space<vmem>>, vector<16xi32>,
    tpu.vector_store %arg19[%swap3A_448], %add3A_447 {strides = array<i32>} : memref<512xi32, #tpu.memory_space<vmem>>, vector<16xi32>,
    %get3A_450 = arith.constant 96 : index
    %get3A_451 = tpu.vector_load %arg19[%get3A_450] {strides = array<i32>} : memref<512xi32, #tpu.memory_space<vmem>>, vector<16xi32>,
    %add3A_452 = vector.broadcast %mul3A_413 : i32 to vector<16xi32>
    %add3A_453 = arith.addi %get3A_451, %add3A_452 : vector<16xi32>
    %swap3A_454 = arith.constant 96 : index
    %swap3A_455 = tpu.vector_load %arg19[%swap3A_454] {strides = array<i32>} : memref<512xi32, #tpu.memory_space<vmem>>, vector<16xi32>,
    tpu.vector_store %arg19[%swap3A_454], %add3A_453 {strides = array<i32>} : memref<512xi32, #tpu.memory_space<vmem>>, vector<16xi32>,
    %get3A_456 = arith.constant 112 : index
    %get3A_457 = tpu.vector_load %arg19[%get3A_456] {strides = array<i32>} : memref<512xi32, #tpu.memory_space<vmem>>, vector<16xi32>,
    %add3A_458 = vector.broadcast %mul3A_413 : i32 to vector<16xi32>
    %add3A_459 = arith.addi %get3A_457, %add3A_458 : vector<16xi32>
    %swap3A_460 = arith.constant 112 : index
    %swap3A_461 = tpu.vector_load %arg19[%swap3A_460] {strides = array<i32>} : memref<512xi32, #tpu.memory_space<vmem>>, vector<16xi32>,
    tpu.vector_store %arg19[%swap3A_460], %add3A_459 {strides = array<i32>} : memref<512xi32, #tpu.memory_space<vmem>>, vector<16xi32>,
    %get3A_462 = arith.constant 128 : index
    %get3A_463 = tpu.vector_load %arg19[%get3A_462] {strides = array<i32>} : memref<512xi32, #tpu.memory_space<vmem>>, vector<16xi32>,
    %add3A_464 = vector.broadcast %mul3A_413 : i32 to vector<16xi32>
    %add3A_465 = arith.addi %get3A_463, %add3A_464 : vector<16xi32>
    %swap3A_466 = arith.constant 128 : index
    %swap3A_467 = tpu.vector_load %arg19[%swap3A_466] {strides = array<i32>} : memref<512xi32, #tpu.memory_space<vmem>>, vector<16xi32>,
    tpu.vector_store %arg19[%swap3A_466], %add3A_465 {strides = array<i32>} : memref<512xi32, #tpu.memory_space<vmem>>, vector<16xi32>,
    %get3A_468 = arith.constant 144 : index
    %get3A_469 = tpu.vector_load %arg19[%get3A_468] {strides = array<i32>} : memref<512xi32, #tpu.memory_space<vmem>>, vector<16xi32>,
    %add3A_470 = vector.broadcast %mul3A_413 : i32 to vector<16xi32>
    %add3A_471 = arith.addi %get3A_469, %add3A_470 : vector<16xi32>
    %swap3A_472 = arith.constant 144 : index
    %swap3A_473 = tpu.vector_load %arg19[%swap3A_472] {strides = array<i32>} : memref<512xi32, #tpu.memory_space<vmem>>, vector<16xi32>,
    tpu.vector_store %arg19[%swap3A_472], %add3A_471 {strides = array<i32>} : memref<512xi32, #tpu.memory_space<vmem>>, vector<16xi32>,
    %get3A_474 = arith.constant 160 : index
    %get3A_475 = tpu.vector_load %arg19[%get3A_474] {strides = array<i32>} : memref<512xi32, #tpu.memory_space<vmem>>, vector<16xi32>,
    %add3A_476 = vector.broadcast %mul3A_413 : i32 to vector<16xi32>
    %add3A_477 = arith.addi %get3A_475, %add3A_476 : vector<16xi32>
    %swap3A_478 = arith.constant 160 : index
    %swap3A_479 = tpu.vector_load %arg19[%swap3A_478] {strides = array<i32>} : memref<512xi32, #tpu.memory_space<vmem>>, vector<16xi32>,
    tpu.vector_store %arg19[%swap3A_478], %add3A_477 {strides = array<i32>} : memref<512xi32, #tpu.memory_space<vmem>>, vector<16xi32>,
    %get3A_480 = arith.constant 176 : index
    %get3A_481 = tpu.vector_load %arg19[%get3A_480] {strides = array<i32>} : memref<512xi32, #tpu.memory_space<vmem>>, vector<16xi32>,
    %add3A_482 = vector.broadcast %mul3A_413 : i32 to vector<16xi32>
    %add3A_483 = arith.addi %get3A_481, %add3A_482 : vector<16xi32>
    %swap3A_484 = arith.constant 176 : index
    %swap3A_485 = tpu.vector_load %arg19[%swap3A_484] {strides = array<i32>} : memref<512xi32, #tpu.memory_space<vmem>>, vector<16xi32>,
    tpu.vector_store %arg19[%swap3A_484], %add3A_483 {strides = array<i32>} : memref<512xi32, #tpu.memory_space<vmem>>, vector<16xi32>,
    %get3A_486 = arith.constant 192 : index
    %get3A_487 = tpu.vector_load %arg19[%get3A_486] {strides = array<i32>} : memref<512xi32, #tpu.memory_space<vmem>>, vector<16xi32>,
    %add3A_488 = vector.broadcast %mul3A_413 : i32 to vector<16xi32>
    %add3A_489 = arith.addi %get3A_487, %add3A_488 : vector<16xi32>
    %swap3A_490 = arith.constant 192 : index
    %swap3A_491 = tpu.vector_load %arg19[%swap3A_490] {strides = array<i32>} : memref<512xi32, #tpu.memory_space<vmem>>, vector<16xi32>,
    tpu.vector_store %arg19[%swap3A_490], %add3A_489 {strides = array<i32>} : memref<512xi32, #tpu.memory_space<vmem>>, vector<16xi32>,
    %get3A_492 = arith.constant 208 : index
    %get3A_493 = tpu.vector_load %arg19[%get3A_492] {strides = array<i32>} : memref<512xi32, #tpu.memory_space<vmem>>, vector<16xi32>,
    %add3A_494 = vector.broadcast %mul3A_413 : i32 to vector<16xi32>
    %add3A_495 = arith.addi %get3A_493, %add3A_494 : vector<16xi32>
    %swap3A_496 = arith.constant 208 : index
    %swap3A_497 = tpu.vector_load %arg19[%swap3A_496] {strides = array<i32>} : memref<512xi32, #tpu.memory_space<vmem>>, vector<16xi32>,
    tpu.vector_store %arg19[%swap3A_496], %add3A_495 {strides = array<i32>} : memref<512xi32, #tpu.memory_space<vmem>>, vector<16xi32>,
    %get3A_498 = arith.constant 224 : index
    %get3A_499 = tpu.vector_load %arg19[%get3A_498] {strides = array<i32>} : memref<512xi32, #tpu.memory_space<vmem>>, vector<16xi32>,
    %add3A_500 = vector.broadcast %mul3A_413 : i32 to vector<16xi32>
    %add3A_501 = arith.addi %get3A_499, %add3A_500 : vector<16xi32>
    %swap3A_502 = arith.constant 224 : index
    %swap3A_503 = tpu.vector_load %arg19[%swap3A_502] {strides = array<i32>} : memref<512xi32, #tpu.memory_space<vmem>>, vector<16xi32>,
    tpu.vector_store %arg19[%swap3A_502], %add3A_501 {strides = array<i32>} : memref<512xi32, #tpu.memory_space<vmem>>, vector<16xi32>,
    %get3A_504 = arith.constant 240 : index
    %get3A_505 = tpu.vector_load %arg19[%get3A_504] {strides = array<i32>} : memref<512xi32, #tpu.memory_space<vmem>>, vector<16xi32>,
    %add3A_506 = vector.broadcast %mul3A_413 : i32 to vector<16xi32>
    %add3A_507 = arith.addi %get3A_505, %add3A_506 : vector<16xi32>
    %swap3A_508 = arith.constant 240 : index
    %swap3A_509 = tpu.vector_load %arg19[%swap3A_508] {strides = array<i32>} : memref<512xi32, #tpu.memory_space<vmem>>, vector<16xi32>,
    tpu.vector_store %arg19[%swap3A_508], %add3A_507 {strides = array<i32>} : memref<512xi32, #tpu.memory_space<vmem>>, vector<16xi32>,
    %get3A_510 = arith.constant 256 : index
    %get3A_511 = tpu.vector_load %arg19[%get3A_510] {strides = array<i32>} : memref<512xi32, #tpu.memory_space<vmem>>, vector<16xi32>,
    %add3A_512 = vector.broadcast %mul3A_413 : i32 to vector<16xi32>
    %add3A_513 = arith.addi %get3A_511, %add3A_512 : vector<16xi32>
    %swap3A_514 = arith.constant 256 : index
    %swap3A_515 = tpu.vector_load %arg19[%swap3A_514] {strides = array<i32>} : memref<512xi32, #tpu.memory_space<vmem>>, vector<16xi32>,
    tpu.vector_store %arg19[%swap3A_514], %add3A_513 {strides = array<i32>} : memref<512xi32, #tpu.memory_space<vmem>>, vector<16xi32>,
    %get3A_516 = arith.constant 272 : index
    %get3A_517 = tpu.vector_load %arg19[%get3A_516] {strides = array<i32>} : memref<512xi32, #tpu.memory_space<vmem>>, vector<16xi32>,
    %add3A_518 = vector.broadcast %mul3A_413 : i32 to vector<16xi32>
    %add3A_519 = arith.addi %get3A_517, %add3A_518 : vector<16xi32>
    %swap3A_520 = arith.constant 272 : index
    %swap3A_521 = tpu.vector_load %arg19[%swap3A_520] {strides = array<i32>} : memref<512xi32, #tpu.memory_space<vmem>>, vector<16xi32>,
    tpu.vector_store %arg19[%swap3A_520], %add3A_519 {strides = array<i32>} : memref<512xi32, #tpu.memory_space<vmem>>, vector<16xi32>,
    %get3A_522 = arith.constant 288 : index
    %get3A_523 = tpu.vector_load %arg19[%get3A_522] {strides = array<i32>} : memref<512xi32, #tpu.memory_space<vmem>>, vector<16xi32>,
    %add3A_524 = vector.broadcast %mul3A_413 : i32 to vector<16xi32>
    %add3A_525 = arith.addi %get3A_523, %add3A_524 : vector<16xi32>
    %swap3A_526 = arith.constant 288 : index
    %swap3A_527 = tpu.vector_load %arg19[%swap3A_526] {strides = array<i32>} : memref<512xi32, #tpu.memory_space<vmem>>, vector<16xi32>,
    tpu.vector_store %arg19[%swap3A_526], %add3A_525 {strides = array<i32>} : memref<512xi32, #tpu.memory_space<vmem>>, vector<16xi32>,
    %get3A_528 = arith.constant 304 : index
    %get3A_529 = tpu.vector_load %arg19[%get3A_528] {strides = array<i32>} : memref<512xi32, #tpu.memory_space<vmem>>, vector<16xi32>,
    %add3A_530 = vector.broadcast %mul3A_413 : i32 to vector<16xi32>
    %add3A_531 = arith.addi %get3A_529, %add3A_530 : vector<16xi32>
    %swap3A_532 = arith.constant 304 : index
    %swap3A_533 = tpu.vector_load %arg19[%swap3A_532] {strides = array<i32>} : memref<512xi32, #tpu.memory_space<vmem>>, vector<16xi32>,
    tpu.vector_store %arg19[%swap3A_532], %add3A_531 {strides = array<i32>} : memref<512xi32, #tpu.memory_space<vmem>>, vector<16xi32>,
    %get3A_534 = arith.constant 320 : index
    %get3A_535 = tpu.vector_load %arg19[%get3A_534] {strides = array<i32>} : memref<512xi32, #tpu.memory_space<vmem>>, vector<16xi32>,
    %add3A_536 = vector.broadcast %mul3A_413 : i32 to vector<16xi32>
    %add3A_537 = arith.addi %get3A_535, %add3A_536 : vector<16xi32>
    %swap3A_538 = arith.constant 320 : index
    %swap3A_539 = tpu.vector_load %arg19[%swap3A_538] {strides = array<i32>} : memref<512xi32, #tpu.memory_space<vmem>>, vector<16xi32>,
    tpu.vector_store %arg19[%swap3A_538], %add3A_537 {strides = array<i32>} : memref<512xi32, #tpu.memory_space<vmem>>, vector<16xi32>,
    %get3A_540 = arith.constant 336 : index
    %get3A_541 = tpu.vector_load %arg19[%get3A_540] {strides = array<i32>} : memref<512xi32, #tpu.memory_space<vmem>>, vector<16xi32>,
    %add3A_542 = vector.broadcast %mul3A_413 : i32 to vector<16xi32>
    %add3A_543 = arith.addi %get3A_541, %add3A_542 : vector<16xi32>
    %swap3A_544 = arith.constant 336 : index
    %swap3A_545 = tpu.vector_load %arg19[%swap3A_544] {strides = array<i32>} : memref<512xi32, #tpu.memory_space<vmem>>, vector<16xi32>,
    tpu.vector_store %arg19[%swap3A_544], %add3A_543 {strides = array<i32>} : memref<512xi32, #tpu.memory_space<vmem>>, vector<16xi32>,
    %get3A_546 = arith.constant 352 : index
    %get3A_547 = tpu.vector_load %arg19[%get3A_546] {strides = array<i32>} : memref<512xi32, #tpu.memory_space<vmem>>, vector<16xi32>,
    %add3A_548 = vector.broadcast %mul3A_413 : i32 to vector<16xi32>
    %add3A_549 = arith.addi %get3A_547, %add3A_548 : vector<16xi32>
    %swap3A_550 = arith.constant 352 : index
    %swap3A_551 = tpu.vector_load %arg19[%swap3A_550] {strides = array<i32>} : memref<512xi32, #tpu.memory_space<vmem>>, vector<16xi32>,
    tpu.vector_store %arg19[%swap3A_550], %add3A_549 {strides = array<i32>} : memref<512xi32, #tpu.memory_space<vmem>>, vector<16xi32>,
    %get3A_552 = arith.constant 368 : index
    %get3A_553 = tpu.vector_load %arg19[%get3A_552] {strides = array<i32>} : memref<512xi32, #tpu.memory_space<vmem>>, vector<16xi32>,
    %add3A_554 = vector.broadcast %mul3A_413 : i32 to vector<16xi32>
    %add3A_555 = arith.addi %get3A_553, %add3A_554 : vector<16xi32>
    %swap3A_556 = arith.constant 368 : index
    %swap3A_557 = tpu.vector_load %arg19[%swap3A_556] {strides = array<i32>} : memref<512xi32, #tpu.memory_space<vmem>>, vector<16xi32>,
    tpu.vector_store %arg19[%swap3A_556], %add3A_555 {strides = array<i32>} : memref<512xi32, #tpu.memory_space<vmem>>, vector<16xi32>,
    %get3A_558 = arith.constant 384 : index
    %get3A_559 = tpu.vector_load %arg19[%get3A_558] {strides = array<i32>} : memref<512xi32, #tpu.memory_space<vmem>>, vector<16xi32>,
    %add3A_560 = vector.broadcast %mul3A_413 : i32 to vector<16xi32>
    %add3A_561 = arith.addi %get3A_559, %add3A_560 : vector<16xi32>
    %swap3A_562 = arith.constant 384 : index
    %swap3A_563 = tpu.vector_load %arg19[%swap3A_562] {strides = array<i32>} : memref<512xi32, #tpu.memory_space<vmem>>, vector<16xi32>,
    tpu.vector_store %arg19[%swap3A_562], %add3A_561 {strides = array<i32>} : memref<512xi32, #tpu.memory_space<vmem>>, vector<16xi32>,
    %get3A_564 = arith.constant 400 : index
    %get3A_565 = tpu.vector_load %arg19[%get3A_564] {strides = array<i32>} : memref<512xi32, #tpu.memory_space<vmem>>, vector<16xi32>,
    %add3A_566 = vector.broadcast %mul3A_413 : i32 to vector<16xi32>
    %add3A_567 = arith.addi %get3A_565, %add3A_566 : vector<16xi32>
    %swap3A_568 = arith.constant 400 : index
    %swap3A_569 = tpu.vector_load %arg19[%swap3A_568] {strides = array<i32>} : memref<512xi32, #tpu.memory_space<vmem>>, vector<16xi32>,
    tpu.vector_store %arg19[%swap3A_568], %add3A_567 {strides = array<i32>} : memref<512xi32, #tpu.memory_space<vmem>>, vector<16xi32>,
    %get3A_570 = arith.constant 416 : index
    %get3A_571 = tpu.vector_load %arg19[%get3A_570] {strides = array<i32>} : memref<512xi32, #tpu.memory_space<vmem>>, vector<16xi32>,
    %add3A_572 = vector.broadcast %mul3A_413 : i32 to vector<16xi32>
    %add3A_573 = arith.addi %get3A_571, %add3A_572 : vector<16xi32>
    %swap3A_574 = arith.constant 416 : index
    %swap3A_575 = tpu.vector_load %arg19[%swap3A_574] {strides = array<i32>} : memref<512xi32, #tpu.memory_space<vmem>>, vector<16xi32>,
    tpu.vector_store %arg19[%swap3A_574], %add3A_573 {strides = array<i32>} : memref<512xi32, #tpu.memory_space<vmem>>, vector<16xi32>,
    %get3A_576 = arith.constant 432 : index
    %get3A_577 = tpu.vector_load %arg19[%get3A_576] {strides = array<i32>} : memref<512xi32, #tpu.memory_space<vmem>>, vector<16xi32>,
    %add3A_578 = vector.broadcast %mul3A_413 : i32 to vector<16xi32>
    %add3A_579 = arith.addi %get3A_577, %add3A_578 : vector<16xi32>
    %swap3A_580 = arith.constant 432 : index
    %swap3A_581 = tpu.vector_load %arg19[%swap3A_580] {strides = array<i32>} : memref<512xi32, #tpu.memory_space<vmem>>, vector<16xi32>,
    tpu.vector_store %arg19[%swap3A_580], %add3A_579 {strides = array<i32>} : memref<512xi32, #tpu.memory_space<vmem>>, vector<16xi32>,
    %get3A_582 = arith.constant 448 : index
    %get3A_583 = tpu.vector_load %arg19[%get3A_582] {strides = array<i32>} : memref<512xi32, #tpu.memory_space<vmem>>, vector<16xi32>,
    %add3A_584 = vector.broadcast %mul3A_413 : i32 to vector<16xi32>
    %add3A_585 = arith.addi %get3A_583, %add3A_584 : vector<16xi32>
    %swap3A_586 = arith.constant 448 : index
    %swap3A_587 = tpu.vector_load %arg19[%swap3A_586] {strides = array<i32>} : memref<512xi32, #tpu.memory_space<vmem>>, vector<16xi32>,
    tpu.vector_store %arg19[%swap3A_586], %add3A_585 {strides = array<i32>} : memref<512xi32, #tpu.memory_space<vmem>>, vector<16xi32>,
    %get3A_588 = arith.constant 464 : index
    %get3A_589 = tpu.vector_load %arg19[%get3A_588] {strides = array<i32>} : memref<512xi32, #tpu.memory_space<vmem>>, vector<16xi32>,
    %add3A_590 = vector.broadcast %mul3A_413 : i32 to vector<16xi32>
    %add3A_591 = arith.addi %get3A_589, %add3A_590 : vector<16xi32>
    %swap3A_592 = arith.constant 464 : index
    %swap3A_593 = tpu.vector_load %arg19[%swap3A_592] {strides = array<i32>} : memref<512xi32, #tpu.memory_space<vmem>>, vector<16xi32>,
    tpu.vector_store %arg19[%swap3A_592], %add3A_591 {strides = array<i32>} : memref<512xi32, #tpu.memory_space<vmem>>, vector<16xi32>,
    %get3A_594 = arith.constant 480 : index
    %get3A_595 = tpu.vector_load %arg19[%get3A_594] {strides = array<i32>} : memref<512xi32, #tpu.memory_space<vmem>>, vector<16xi32>,
    %add3A_596 = vector.broadcast %mul3A_413 : i32 to vector<16xi32>
    %add3A_597 = arith.addi %get3A_595, %add3A_596 : vector<16xi32>
    %swap3A_598 = arith.constant 480 : index
    %swap3A_599 = tpu.vector_load %arg19[%swap3A_598] {strides = array<i32>} : memref<512xi32, #tpu.memory_space<vmem>>, vector<16xi32>,
    tpu.vector_store %arg19[%swap3A_598], %add3A_597 {strides = array<i32>} : memref<512xi32, #tpu.memory_space<vmem>>, vector<16xi32>,
    %get3A_600 = arith.constant 496 : index
    %get3A_601 = tpu.vector_load %arg19[%get3A_600] {strides = array<i32>} : memref<512xi32, #tpu.memory_space<vmem>>, vector<16xi32>,
    %add3A_602 = vector.broadcast %mul3A_413 : i32 to vector<16xi32>
    %add3A_603 = arith.addi %get3A_601, %add3A_602 : vector<16xi32>
    %swap3A_604 = arith.constant 496 : index
    %swap3A_605 = tpu.vector_load %arg19[%swap3A_604] {strides = array<i32>} : memref<512xi32, #tpu.memory_space<vmem>>, vector<16xi32>,
    tpu.vector_store %arg19[%swap3A_604], %add3A_603 {strides = array<i32>} : memref<512xi32, #tpu.memory_space<vmem>>, vector<16xi32>,
    %rem3A_606 = arith.constant 32 : i32
    %rem3A_607 = arith.remsi %add3A, %rem3A_606 : i32
    %mul3A_608 = arith.constant 24 : i32
    %mul3A_609 = arith.muli %rem3A_607, %mul3A_608 : i32
    %get3A_610 = arith.constant 0 : index
    %get3A_611 = tpu.vector_load %arg20[%get3A_610] {strides = array<i32>} : memref<512xi32, #tpu.memory_space<vmem>>, vector<16xi32>,
    %add3A_612 = vector.broadcast %mul3A_609 : i32 to vector<16xi32>
    %add3A_613 = arith.addi %get3A_611, %add3A_612 : vector<16xi32>
    %swap3A_614 = arith.constant 0 : index
    %swap3A_615 = tpu.vector_load %arg20[%swap3A_614] {strides = array<i32>} : memref<512xi32, #tpu.memory_space<vmem>>, vector<16xi32>,
    tpu.vector_store %arg20[%swap3A_614], %add3A_613 {strides = array<i32>} : memref<512xi32, #tpu.memory_space<vmem>>, vector<16xi32>,
    %get3A_616 = arith.constant 16 : index
    %get3A_617 = tpu.vector_load %arg20[%get3A_616] {strides = array<i32>} : memref<512xi32, #tpu.memory_space<vmem>>, vector<16xi32>,
    %add3A_618 = vector.broadcast %mul3A_609 : i32 to vector<16xi32>
    %add3A_619 = arith.addi %get3A_617, %add3A_618 : vector<16xi32>
    %swap3A_620 = arith.constant 16 : index
    %swap3A_621 = tpu.vector_load %arg20[%swap3A_620] {strides = array<i32>} : memref<512xi32, #tpu.memory_space<vmem>>, vector<16xi32>,
    tpu.vector_store %arg20[%swap3A_620], %add3A_619 {strides = array<i32>} : memref<512xi32, #tpu.memory_space<vmem>>, vector<16xi32>,
    %get3A_622 = arith.constant 32 : index
    %get3A_623 = tpu.vector_load %arg20[%get3A_622] {strides = array<i32>} : memref<512xi32, #tpu.memory_space<vmem>>, vector<16xi32>,
    %add3A_624 = vector.broadcast %mul3A_609 : i32 to vector<16xi32>
    %add3A_625 = arith.addi %get3A_623, %add3A_624 : vector<16xi32>
    %swap3A_626 = arith.constant 32 : index
    %swap3A_627 = tpu.vector_load %arg20[%swap3A_626] {strides = array<i32>} : memref<512xi32, #tpu.memory_space<vmem>>, vector<16xi32>,
    tpu.vector_store %arg20[%swap3A_626], %add3A_625 {strides = array<i32>} : memref<512xi32, #tpu.memory_space<vmem>>, vector<16xi32>,
    %get3A_628 = arith.constant 48 : index
    %get3A_629 = tpu.vector_load %arg20[%get3A_628] {strides = array<i32>} : memref<512xi32, #tpu.memory_space<vmem>>, vector<16xi32>,
    %add3A_630 = vector.broadcast %mul3A_609 : i32 to vector<16xi32>
    %add3A_631 = arith.addi %get3A_629, %add3A_630 : vector<16xi32>
    %swap3A_632 = arith.constant 48 : index
    %swap3A_633 = tpu.vector_load %arg20[%swap3A_632] {strides = array<i32>} : memref<512xi32, #tpu.memory_space<vmem>>, vector<16xi32>,
    tpu.vector_store %arg20[%swap3A_632], %add3A_631 {strides = array<i32>} : memref<512xi32, #tpu.memory_space<vmem>>, vector<16xi32>,
    %get3A_634 = arith.constant 64 : index
    %get3A_635 = tpu.vector_load %arg20[%get3A_634] {strides = array<i32>} : memref<512xi32, #tpu.memory_space<vmem>>, vector<16xi32>,
    %add3A_636 = vector.broadcast %mul3A_609 : i32 to vector<16xi32>
    %add3A_637 = arith.addi %get3A_635, %add3A_636 : vector<16xi32>
    %swap3A_638 = arith.constant 64 : index
    %swap3A_639 = tpu.vector_load %arg20[%swap3A_638] {strides = array<i32>} : memref<512xi32, #tpu.memory_space<vmem>>, vector<16xi32>,
    tpu.vector_store %arg20[%swap3A_638], %add3A_637 {strides = array<i32>} : memref<512xi32, #tpu.memory_space<vmem>>, vector<16xi32>,
    %get3A_640 = arith.constant 80 : index
    %get3A_641 = tpu.vector_load %arg20[%get3A_640] {strides = array<i32>} : memref<512xi32, #tpu.memory_space<vmem>>, vector<16xi32>,
    %add3A_642 = vector.broadcast %mul3A_609 : i32 to vector<16xi32>
    %add3A_643 = arith.addi %get3A_641, %add3A_642 : vector<16xi32>
    %swap3A_644 = arith.constant 80 : index
    %swap3A_645 = tpu.vector_load %arg20[%swap3A_644] {strides = array<i32>} : memref<512xi32, #tpu.memory_space<vmem>>, vector<16xi32>,
    tpu.vector_store %arg20[%swap3A_644], %add3A_643 {strides = array<i32>} : memref<512xi32, #tpu.memory_space<vmem>>, vector<16xi32>,
    %get3A_646 = arith.constant 96 : index
    %get3A_647 = tpu.vector_load %arg20[%get3A_646] {strides = array<i32>} : memref<512xi32, #tpu.memory_space<vmem>>, vector<16xi32>,
    %add3A_648 = vector.broadcast %mul3A_609 : i32 to vector<16xi32>
    %add3A_649 = arith.addi %get3A_647, %add3A_648 : vector<16xi32>
    %swap3A_650 = arith.constant 96 : index
    %swap3A_651 = tpu.vector_load %arg20[%swap3A_650] {strides = array<i32>} : memref<512xi32, #tpu.memory_space<vmem>>, vector<16xi32>,
    tpu.vector_store %arg20[%swap3A_650], %add3A_649 {strides = array<i32>} : memref<512xi32, #tpu.memory_space<vmem>>, vector<16xi32>,
    %get3A_652 = arith.constant 112 : index
    %get3A_653 = tpu.vector_load %arg20[%get3A_652] {strides = array<i32>} : memref<512xi32, #tpu.memory_space<vmem>>, vector<16xi32>,
    %add3A_654 = vector.broadcast %mul3A_609 : i32 to vector<16xi32>
    %add3A_655 = arith.addi %get3A_653, %add3A_654 : vector<16xi32>
    %swap3A_656 = arith.constant 112 : index
    %swap3A_657 = tpu.vector_load %arg20[%swap3A_656] {strides = array<i32>} : memref<512xi32, #tpu.memory_space<vmem>>, vector<16xi32>,
    tpu.vector_store %arg20[%swap3A_656], %add3A_655 {strides = array<i32>} : memref<512xi32, #tpu.memory_space<vmem>>, vector<16xi32>,
    %get3A_658 = arith.constant 128 : index
    %get3A_659 = tpu.vector_load %arg20[%get3A_658] {strides = array<i32>} : memref<512xi32, #tpu.memory_space<vmem>>, vector<16xi32>,
    %add3A_660 = vector.broadcast %mul3A_609 : i32 to vector<16xi32>
    %add3A_661 = arith.addi %get3A_659, %add3A_660 : vector<16xi32>
    %swap3A_662 = arith.constant 128 : index
    %swap3A_663 = tpu.vector_load %arg20[%swap3A_662] {strides = array<i32>} : memref<512xi32, #tpu.memory_space<vmem>>, vector<16xi32>,
    tpu.vector_store %arg20[%swap3A_662], %add3A_661 {strides = array<i32>} : memref<512xi32, #tpu.memory_space<vmem>>, vector<16xi32>,
    %get3A_664 = arith.constant 144 : index
    %get3A_665 = tpu.vector_load %arg20[%get3A_664] {strides = array<i32>} : memref<512xi32, #tpu.memory_space<vmem>>, vector<16xi32>,
    %add3A_666 = vector.broadcast %mul3A_609 : i32 to vector<16xi32>
    %add3A_667 = arith.addi %get3A_665, %add3A_666 : vector<16xi32>
    %swap3A_668 = arith.constant 144 : index
    %swap3A_669 = tpu.vector_load %arg20[%swap3A_668] {strides = array<i32>} : memref<512xi32, #tpu.memory_space<vmem>>, vector<16xi32>,
    tpu.vector_store %arg20[%swap3A_668], %add3A_667 {strides = array<i32>} : memref<512xi32, #tpu.memory_space<vmem>>, vector<16xi32>,
    %get3A_670 = arith.constant 160 : index
    %get3A_671 = tpu.vector_load %arg20[%get3A_670] {strides = array<i32>} : memref<512xi32, #tpu.memory_space<vmem>>, vector<16xi32>,
    %add3A_672 = vector.broadcast %mul3A_609 : i32 to vector<16xi32>
    %add3A_673 = arith.addi %get3A_671, %add3A_672 : vector<16xi32>
    %swap3A_674 = arith.constant 160 : index
    %swap3A_675 = tpu.vector_load %arg20[%swap3A_674] {strides = array<i32>} : memref<512xi32, #tpu.memory_space<vmem>>, vector<16xi32>,
    tpu.vector_store %arg20[%swap3A_674], %add3A_673 {strides = array<i32>} : memref<512xi32, #tpu.memory_space<vmem>>, vector<16xi32>,
    %get3A_676 = arith.constant 176 : index
    %get3A_677 = tpu.vector_load %arg20[%get3A_676] {strides = array<i32>} : memref<512xi32, #tpu.memory_space<vmem>>, vector<16xi32>,
    %add3A_678 = vector.broadcast %mul3A_609 : i32 to vector<16xi32>
    %add3A_679 = arith.addi %get3A_677, %add3A_678 : vector<16xi32>
    %swap3A_680 = arith.constant 176 : index
    %swap3A_681 = tpu.vector_load %arg20[%swap3A_680] {strides = array<i32>} : memref<512xi32, #tpu.memory_space<vmem>>, vector<16xi32>,
    tpu.vector_store %arg20[%swap3A_680], %add3A_679 {strides = array<i32>} : memref<512xi32, #tpu.memory_space<vmem>>, vector<16xi32>,
    %get3A_682 = arith.constant 192 : index
    %get3A_683 = tpu.vector_load %arg20[%get3A_682] {strides = array<i32>} : memref<512xi32, #tpu.memory_space<vmem>>, vector<16xi32>,
    %add3A_684 = vector.broadcast %mul3A_609 : i32 to vector<16xi32>
    %add3A_685 = arith.addi %get3A_683, %add3A_684 : vector<16xi32>
    %swap3A_686 = arith.constant 192 : index
    %swap3A_687 = tpu.vector_load %arg20[%swap3A_686] {strides = array<i32>} : memref<512xi32, #tpu.memory_space<vmem>>, vector<16xi32>,
    tpu.vector_store %arg20[%swap3A_686], %add3A_685 {strides = array<i32>} : memref<512xi32, #tpu.memory_space<vmem>>, vector<16xi32>,
    %get3A_688 = arith.constant 208 : index
    %get3A_689 = tpu.vector_load %arg20[%get3A_688] {strides = array<i32>} : memref<512xi32, #tpu.memory_space<vmem>>, vector<16xi32>,
    %add3A_690 = vector.broadcast %mul3A_609 : i32 to vector<16xi32>
    %add3A_691 = arith.addi %get3A_689, %add3A_690 : vector<16xi32>
    %swap3A_692 = arith.constant 208 : index
    %swap3A_693 = tpu.vector_load %arg20[%swap3A_692] {strides = array<i32>} : memref<512xi32, #tpu.memory_space<vmem>>, vector<16xi32>,
    tpu.vector_store %arg20[%swap3A_692], %add3A_691 {strides = array<i32>} : memref<512xi32, #tpu.memory_space<vmem>>, vector<16xi32>,
    %get3A_694 = arith.constant 224 : index
    %get3A_695 = tpu.vector_load %arg20[%get3A_694] {strides = array<i32>} : memref<512xi32, #tpu.memory_space<vmem>>, vector<16xi32>,
    %add3A_696 = vector.broadcast %mul3A_609 : i32 to vector<16xi32>
    %add3A_697 = arith.addi %get3A_695, %add3A_696 : vector<16xi32>
    %swap3A_698 = arith.constant 224 : index
    %swap3A_699 = tpu.vector_load %arg20[%swap3A_698] {strides = array<i32>} : memref<512xi32, #tpu.memory_space<vmem>>, vector<16xi32>,
    tpu.vector_store %arg20[%swap3A_698], %add3A_697 {strides = array<i32>} : memref<512xi32, #tpu.memory_space<vmem>>, vector<16xi32>,
    %get3A_700 = arith.constant 240 : index
    %get3A_701 = tpu.vector_load %arg20[%get3A_700] {strides = array<i32>} : memref<512xi32, #tpu.memory_space<vmem>>, vector<16xi32>,
    %add3A_702 = vector.broadcast %mul3A_609 : i32 to vector<16xi32>
    %add3A_703 = arith.addi %get3A_701, %add3A_702 : vector<16xi32>
    %swap3A_704 = arith.constant 240 : index
    %swap3A_705 = tpu.vector_load %arg20[%swap3A_704] {strides = array<i32>} : memref<512xi32, #tpu.memory_space<vmem>>, vector<16xi32>,
    tpu.vector_store %arg20[%swap3A_704], %add3A_703 {strides = array<i32>} : memref<512xi32, #tpu.memory_space<vmem>>, vector<16xi32>,
    %get3A_706 = arith.constant 256 : index
    %get3A_707 = tpu.vector_load %arg20[%get3A_706] {strides = array<i32>} : memref<512xi32, #tpu.memory_space<vmem>>, vector<16xi32>,
    %add3A_708 = vector.broadcast %mul3A_609 : i32 to vector<16xi32>
    %add3A_709 = arith.addi %get3A_707, %add3A_708 : vector<16xi32>
    %swap3A_710 = arith.constant 256 : index
    %swap3A_711 = tpu.vector_load %arg20[%swap3A_710] {strides = array<i32>} : memref<512xi32, #tpu.memory_space<vmem>>, vector<16xi32>,
    tpu.vector_store %arg20[%swap3A_710], %add3A_709 {strides = array<i32>} : memref<512xi32, #tpu.memory_space<vmem>>, vector<16xi32>,
    %get3A_712 = arith.constant 272 : index
    %get3A_713 = tpu.vector_load %arg20[%get3A_712] {strides = array<i32>} : memref<512xi32, #tpu.memory_space<vmem>>, vector<16xi32>,
    %add3A_714 = vector.broadcast %mul3A_609 : i32 to vector<16xi32>
    %add3A_715 = arith.addi %get3A_713, %add3A_714 : vector<16xi32>
    %swap3A_716 = arith.constant 272 : index
    %swap3A_717 = tpu.vector_load %arg20[%swap3A_716] {strides = array<i32>} : memref<512xi32, #tpu.memory_space<vmem>>, vector<16xi32>,
    tpu.vector_store %arg20[%swap3A_716], %add3A_715 {strides = array<i32>} : memref<512xi32, #tpu.memory_space<vmem>>, vector<16xi32>,
    %get3A_718 = arith.constant 288 : index
    %get3A_719 = tpu.vector_load %arg20[%get3A_718] {strides = array<i32>} : memref<512xi32, #tpu.memory_space<vmem>>, vector<16xi32>,
    %add3A_720 = vector.broadcast %mul3A_609 : i32 to vector<16xi32>
    %add3A_721 = arith.addi %get3A_719, %add3A_720 : vector<16xi32>
    %swap3A_722 = arith.constant 288 : index
    %swap3A_723 = tpu.vector_load %arg20[%swap3A_722] {strides = array<i32>} : memref<512xi32, #tpu.memory_space<vmem>>, vector<16xi32>,
    tpu.vector_store %arg20[%swap3A_722], %add3A_721 {strides = array<i32>} : memref<512xi32, #tpu.memory_space<vmem>>, vector<16xi32>,
    %get3A_724 = arith.constant 304 : index
    %get3A_725 = tpu.vector_load %arg20[%get3A_724] {strides = array<i32>} : memref<512xi32, #tpu.memory_space<vmem>>, vector<16xi32>,
    %add3A_726 = vector.broadcast %mul3A_609 : i32 to vector<16xi32>
    %add3A_727 = arith.addi %get3A_725, %add3A_726 : vector<16xi32>
    %swap3A_728 = arith.constant 304 : index
    %swap3A_729 = tpu.vector_load %arg20[%swap3A_728] {strides = array<i32>} : memref<512xi32, #tpu.memory_space<vmem>>, vector<16xi32>,
    tpu.vector_store %arg20[%swap3A_728], %add3A_727 {strides = array<i32>} : memref<512xi32, #tpu.memory_space<vmem>>, vector<16xi32>,
    %get3A_730 = arith.constant 320 : index
    %get3A_731 = tpu.vector_load %arg20[%get3A_730] {strides = array<i32>} : memref<512xi32, #tpu.memory_space<vmem>>, vector<16xi32>,
    %add3A_732 = vector.broadcast %mul3A_609 : i32 to vector<16xi32>
    %add3A_733 = arith.addi %get3A_731, %add3A_732 : vector<16xi32>
    %swap3A_734 = arith.constant 320 : index
    %swap3A_735 = tpu.vector_load %arg20[%swap3A_734] {strides = array<i32>} : memref<512xi32, #tpu.memory_space<vmem>>, vector<16xi32>,
    tpu.vector_store %arg20[%swap3A_734], %add3A_733 {strides = array<i32>} : memref<512xi32, #tpu.memory_space<vmem>>, vector<16xi32>,
    %get3A_736 = arith.constant 336 : index
    %get3A_737 = tpu.vector_load %arg20[%get3A_736] {strides = array<i32>} : memref<512xi32, #tpu.memory_space<vmem>>, vector<16xi32>,
    %add3A_738 = vector.broadcast %mul3A_609 : i32 to vector<16xi32>
    %add3A_739 = arith.addi %get3A_737, %add3A_738 : vector<16xi32>
    %swap3A_740 = arith.constant 336 : index
    %swap3A_741 = tpu.vector_load %arg20[%swap3A_740] {strides = array<i32>} : memref<512xi32, #tpu.memory_space<vmem>>, vector<16xi32>,
    tpu.vector_store %arg20[%swap3A_740], %add3A_739 {strides = array<i32>} : memref<512xi32, #tpu.memory_space<vmem>>, vector<16xi32>,
    %get3A_742 = arith.constant 352 : index
    %get3A_743 = tpu.vector_load %arg20[%get3A_742] {strides = array<i32>} : memref<512xi32, #tpu.memory_space<vmem>>, vector<16xi32>,
    %add3A_744 = vector.broadcast %mul3A_609 : i32 to vector<16xi32>
    %add3A_745 = arith.addi %get3A_743, %add3A_744 : vector<16xi32>
    %swap3A_746 = arith.constant 352 : index
    %swap3A_747 = tpu.vector_load %arg20[%swap3A_746] {strides = array<i32>} : memref<512xi32, #tpu.memory_space<vmem>>, vector<16xi32>,
    tpu.vector_store %arg20[%swap3A_746], %add3A_745 {strides = array<i32>} : memref<512xi32, #tpu.memory_space<vmem>>, vector<16xi32>,
    %get3A_748 = arith.constant 368 : index
    %get3A_749 = tpu.vector_load %arg20[%get3A_748] {strides = array<i32>} : memref<512xi32, #tpu.memory_space<vmem>>, vector<16xi32>,
    %add3A_750 = vector.broadcast %mul3A_609 : i32 to vector<16xi32>
    %add3A_751 = arith.addi %get3A_749, %add3A_750 : vector<16xi32>
    %swap3A_752 = arith.constant 368 : index
    %swap3A_753 = tpu.vector_load %arg20[%swap3A_752] {strides = array<i32>} : memref<512xi32, #tpu.memory_space<vmem>>, vector<16xi32>,
    tpu.vector_store %arg20[%swap3A_752], %add3A_751 {strides = array<i32>} : memref<512xi32, #tpu.memory_space<vmem>>, vector<16xi32>,
    %get3A_754 = arith.constant 384 : index
    %get3A_755 = tpu.vector_load %arg20[%get3A_754] {strides = array<i32>} : memref<512xi32, #tpu.memory_space<vmem>>, vector<16xi32>,
    %add3A_756 = vector.broadcast %mul3A_609 : i32 to vector<16xi32>
    %add3A_757 = arith.addi %get3A_755, %add3A_756 : vector<16xi32>
    %swap3A_758 = arith.constant 384 : index
    %swap3A_759 = tpu.vector_load %arg20[%swap3A_758] {strides = array<i32>} : memref<512xi32, #tpu.memory_space<vmem>>, vector<16xi32>,
    tpu.vector_store %arg20[%swap3A_758], %add3A_757 {strides = array<i32>} : memref<512xi32, #tpu.memory_space<vmem>>, vector<16xi32>,
    %get3A_760 = arith.constant 400 : index
    %get3A_761 = tpu.vector_load %arg20[%get3A_760] {strides = array<i32>} : memref<512xi32, #tpu.memory_space<vmem>>, vector<16xi32>,
    %add3A_762 = vector.broadcast %mul3A_609 : i32 to vector<16xi32>
    %add3A_763 = arith.addi %get3A_761, %add3A_762 : vector<16xi32>
    %swap3A_764 = arith.constant 400 : index
    %swap3A_765 = tpu.vector_load %arg20[%swap3A_764] {strides = array<i32>} : memref<512xi32, #tpu.memory_space<vmem>>, vector<16xi32>,
    tpu.vector_store %arg20[%swap3A_764], %add3A_763 {strides = array<i32>} : memref<512xi32, #tpu.memory_space<vmem>>, vector<16xi32>,
    %get3A_766 = arith.constant 416 : index
    %get3A_767 = tpu.vector_load %arg20[%get3A_766] {strides = array<i32>} : memref<512xi32, #tpu.memory_space<vmem>>, vector<16xi32>,
    %add3A_768 = vector.broadcast %mul3A_609 : i32 to vector<16xi32>
    %add3A_769 = arith.addi %get3A_767, %add3A_768 : vector<16xi32>
    %swap3A_770 = arith.constant 416 : index
    %swap3A_771 = tpu.vector_load %arg20[%swap3A_770] {strides = array<i32>} : memref<512xi32, #tpu.memory_space<vmem>>, vector<16xi32>,
    tpu.vector_store %arg20[%swap3A_770], %add3A_769 {strides = array<i32>} : memref<512xi32, #tpu.memory_space<vmem>>, vector<16xi32>,
    %get3A_772 = arith.constant 432 : index
    %get3A_773 = tpu.vector_load %arg20[%get3A_772] {strides = array<i32>} : memref<512xi32, #tpu.memory_space<vmem>>, vector<16xi32>,
    %add3A_774 = vector.broadcast %mul3A_609 : i32 to vector<16xi32>
    %add3A_775 = arith.addi %get3A_773, %add3A_774 : vector<16xi32>
    %swap3A_776 = arith.constant 432 : index
    %swap3A_777 = tpu.vector_load %arg20[%swap3A_776] {strides = array<i32>} : memref<512xi32, #tpu.memory_space<vmem>>, vector<16xi32>,
    tpu.vector_store %arg20[%swap3A_776], %add3A_775 {strides = array<i32>} : memref<512xi32, #tpu.memory_space<vmem>>, vector<16xi32>,
    %get3A_778 = arith.constant 448 : index
    %get3A_779 = tpu.vector_load %arg20[%get3A_778] {strides = array<i32>} : memref<512xi32, #tpu.memory_space<vmem>>, vector<16xi32>,
    %add3A_780 = vector.broadcast %mul3A_609 : i32 to vector<16xi32>
    %add3A_781 = arith.addi %get3A_779, %add3A_780 : vector<16xi32>
    %swap3A_782 = arith.constant 448 : index
    %swap3A_783 = tpu.vector_load %arg20[%swap3A_782] {strides = array<i32>} : memref<512xi32, #tpu.memory_space<vmem>>, vector<16xi32>,
    tpu.vector_store %arg20[%swap3A_782], %add3A_781 {strides = array<i32>} : memref<512xi32, #tpu.memory_space<vmem>>, vector<16xi32>,
    %get3A_784 = arith.constant 464 : index
    %get3A_785 = tpu.vector_load %arg20[%get3A_784] {strides = array<i32>} : memref<512xi32, #tpu.memory_space<vmem>>, vector<16xi32>,
    %add3A_786 = vector.broadcast %mul3A_609 : i32 to vector<16xi32>
    %add3A_787 = arith.addi %get3A_785, %add3A_786 : vector<16xi32>
    %swap3A_788 = arith.constant 464 : index
    %swap3A_789 = tpu.vector_load %arg20[%swap3A_788] {strides = array<i32>} : memref<512xi32, #tpu.memory_space<vmem>>, vector<16xi32>,
    tpu.vector_store %arg20[%swap3A_788], %add3A_787 {strides = array<i32>} : memref<512xi32, #tpu.memory_space<vmem>>, vector<16xi32>,
    %get3A_790 = arith.constant 480 : index
    %get3A_791 = tpu.vector_load %arg20[%get3A_790] {strides = array<i32>} : memref<512xi32, #tpu.memory_space<vmem>>, vector<16xi32>,
    %add3A_792 = vector.broadcast %mul3A_609 : i32 to vector<16xi32>
    %add3A_793 = arith.addi %get3A_791, %add3A_792 : vector<16xi32>
    %swap3A_794 = arith.constant 480 : index
    %swap3A_795 = tpu.vector_load %arg20[%swap3A_794] {strides = array<i32>} : memref<512xi32, #tpu.memory_space<vmem>>, vector<16xi32>,
    tpu.vector_store %arg20[%swap3A_794], %add3A_793 {strides = array<i32>} : memref<512xi32, #tpu.memory_space<vmem>>, vector<16xi32>,
    %get3A_796 = arith.constant 496 : index
    %get3A_797 = tpu.vector_load %arg20[%get3A_796] {strides = array<i32>} : memref<512xi32, #tpu.memory_space<vmem>>, vector<16xi32>,
    %add3A_798 = vector.broadcast %mul3A_609 : i32 to vector<16xi32>
    %add3A_799 = arith.addi %get3A_797, %add3A_798 : vector<16xi32>
    %swap3A_800 = arith.constant 496 : index
    %swap3A_801 = tpu.vector_load %arg20[%swap3A_800] {strides = array<i32>} : memref<512xi32, #tpu.memory_space<vmem>>, vector<16xi32>,
    tpu.vector_store %arg20[%swap3A_800], %add3A_799 {strides = array<i32>} : memref<512xi32, #tpu.memory_space<vmem>>, vector<16xi32>,
    %rem3A_802 = arith.constant 16 : i32
    %rem3A_803 = arith.remsi %add3A, %rem3A_802 : i32
    %mul3A_804 = arith.constant 287 : i32
    %mul3A_805 = arith.muli %rem3A_803, %mul3A_804 : i32
    %get3A_806 = arith.constant 0 : index
    %get3A_807 = tpu.vector_load %arg21[%get3A_806] {strides = array<i32>} : memref<512xi32, #tpu.memory_space<vmem>>, vector<16xi32>,
    %add3A_808 = vector.broadcast %mul3A_805 : i32 to vector<16xi32>
    %add3A_809 = arith.addi %get3A_807, %add3A_808 : vector<16xi32>
    %swap3A_810 = arith.constant 0 : index
    %swap3A_811 = tpu.vector_load %arg21[%swap3A_810] {strides = array<i32>} : memref<512xi32, #tpu.memory_space<vmem>>, vector<16xi32>,
    tpu.vector_store %arg21[%swap3A_810], %add3A_809 {strides = array<i32>} : memref<512xi32, #tpu.memory_space<vmem>>, vector<16xi32>,
    %get3A_812 = arith.constant 16 : index
    %get3A_813 = tpu.vector_load %arg21[%get3A_812] {strides = array<i32>} : memref<512xi32, #tpu.memory_space<vmem>>, vector<16xi32>,
    %add3A_814 = vector.broadcast %mul3A_805 : i32 to vector<16xi32>
    %add3A_815 = arith.addi %get3A_813, %add3A_814 : vector<16xi32>
    %swap3A_816 = arith.constant 16 : index
    %swap3A_817 = tpu.vector_load %arg21[%swap3A_816] {strides = array<i32>} : memref<512xi32, #tpu.memory_space<vmem>>, vector<16xi32>,
    tpu.vector_store %arg21[%swap3A_816], %add3A_815 {strides = array<i32>} : memref<512xi32, #tpu.memory_space<vmem>>, vector<16xi32>,
    %get3A_818 = arith.constant 32 : index
    %get3A_819 = tpu.vector_load %arg21[%get3A_818] {strides = array<i32>} : memref<512xi32, #tpu.memory_space<vmem>>, vector<16xi32>,
    %add3A_820 = vector.broadcast %mul3A_805 : i32 to vector<16xi32>
    %add3A_821 = arith.addi %get3A_819, %add3A_820 : vector<16xi32>
    %swap3A_822 = arith.constant 32 : index
    %swap3A_823 = tpu.vector_load %arg21[%swap3A_822] {strides = array<i32>} : memref<512xi32, #tpu.memory_space<vmem>>, vector<16xi32>,
    tpu.vector_store %arg21[%swap3A_822], %add3A_821 {strides = array<i32>} : memref<512xi32, #tpu.memory_space<vmem>>, vector<16xi32>,
    %get3A_824 = arith.constant 48 : index
    %get3A_825 = tpu.vector_load %arg21[%get3A_824] {strides = array<i32>} : memref<512xi32, #tpu.memory_space<vmem>>, vector<16xi32>,
    %add3A_826 = vector.broadcast %mul3A_805 : i32 to vector<16xi32>
    %add3A_827 = arith.addi %get3A_825, %add3A_826 : vector<16xi32>
    %swap3A_828 = arith.constant 48 : index
    %swap3A_829 = tpu.vector_load %arg21[%swap3A_828] {strides = array<i32>} : memref<512xi32, #tpu.memory_space<vmem>>, vector<16xi32>,
    tpu.vector_store %arg21[%swap3A_828], %add3A_827 {strides = array<i32>} : memref<512xi32, #tpu.memory_space<vmem>>, vector<16xi32>,
    %get3A_830 = arith.constant 64 : index
    %get3A_831 = tpu.vector_load %arg21[%get3A_830] {strides = array<i32>} : memref<512xi32, #tpu.memory_space<vmem>>, vector<16xi32>,
    %add3A_832 = vector.broadcast %mul3A_805 : i32 to vector<16xi32>
    %add3A_833 = arith.addi %get3A_831, %add3A_832 : vector<16xi32>
    %swap3A_834 = arith.constant 64 : index
    %swap3A_835 = tpu.vector_load %arg21[%swap3A_834] {strides = array<i32>} : memref<512xi32, #tpu.memory_space<vmem>>, vector<16xi32>,
    tpu.vector_store %arg21[%swap3A_834], %add3A_833 {strides = array<i32>} : memref<512xi32, #tpu.memory_space<vmem>>, vector<16xi32>,
    %get3A_836 = arith.constant 80 : index
    %get3A_837 = tpu.vector_load %arg21[%get3A_836] {strides = array<i32>} : memref<512xi32, #tpu.memory_space<vmem>>, vector<16xi32>,
    %add3A_838 = vector.broadcast %mul3A_805 : i32 to vector<16xi32>
    %add3A_839 = arith.addi %get3A_837, %add3A_838 : vector<16xi32>
    %swap3A_840 = arith.constant 80 : index
    %swap3A_841 = tpu.vector_load %arg21[%swap3A_840] {strides = array<i32>} : memref<512xi32, #tpu.memory_space<vmem>>, vector<16xi32>,
    tpu.vector_store %arg21[%swap3A_840], %add3A_839 {strides = array<i32>} : memref<512xi32, #tpu.memory_space<vmem>>, vector<16xi32>,
    %get3A_842 = arith.constant 96 : index
    %get3A_843 = tpu.vector_load %arg21[%get3A_842] {strides = array<i32>} : memref<512xi32, #tpu.memory_space<vmem>>, vector<16xi32>,
    %add3A_844 = vector.broadcast %mul3A_805 : i32 to vector<16xi32>
    %add3A_845 = arith.addi %get3A_843, %add3A_844 : vector<16xi32>
    %swap3A_846 = arith.constant 96 : index
    %swap3A_847 = tpu.vector_load %arg21[%swap3A_846] {strides = array<i32>} : memref<512xi32, #tpu.memory_space<vmem>>, vector<16xi32>,
    tpu.vector_store %arg21[%swap3A_846], %add3A_845 {strides = array<i32>} : memref<512xi32, #tpu.memory_space<vmem>>, vector<16xi32>,
    %get3A_848 = arith.constant 112 : index
    %get3A_849 = tpu.vector_load %arg21[%get3A_848] {strides = array<i32>} : memref<512xi32, #tpu.memory_space<vmem>>, vector<16xi32>,
    %add3A_850 = vector.broadcast %mul3A_805 : i32 to vector<16xi32>
    %add3A_851 = arith.addi %get3A_849, %add3A_850 : vector<16xi32>
    %swap3A_852 = arith.constant 112 : index
    %swap3A_853 = tpu.vector_load %arg21[%swap3A_852] {strides = array<i32>} : memref<512xi32, #tpu.memory_space<vmem>>, vector<16xi32>,
    tpu.vector_store %arg21[%swap3A_852], %add3A_851 {strides = array<i32>} : memref<512xi32, #tpu.memory_space<vmem>>, vector<16xi32>,
    %get3A_854 = arith.constant 128 : index
    %get3A_855 = tpu.vector_load %arg21[%get3A_854] {strides = array<i32>} : memref<512xi32, #tpu.memory_space<vmem>>, vector<16xi32>,
    %add3A_856 = vector.broadcast %mul3A_805 : i32 to vector<16xi32>
    %add3A_857 = arith.addi %get3A_855, %add3A_856 : vector<16xi32>
    %swap3A_858 = arith.constant 128 : index
    %swap3A_859 = tpu.vector_load %arg21[%swap3A_858] {strides = array<i32>} : memref<512xi32, #tpu.memory_space<vmem>>, vector<16xi32>,
    tpu.vector_store %arg21[%swap3A_858], %add3A_857 {strides = array<i32>} : memref<512xi32, #tpu.memory_space<vmem>>, vector<16xi32>,
    %get3A_860 = arith.constant 144 : index
    %get3A_861 = tpu.vector_load %arg21[%get3A_860] {strides = array<i32>} : memref<512xi32, #tpu.memory_space<vmem>>, vector<16xi32>,
    %add3A_862 = vector.broadcast %mul3A_805 : i32 to vector<16xi32>
    %add3A_863 = arith.addi %get3A_861, %add3A_862 : vector<16xi32>
    %swap3A_864 = arith.constant 144 : index
    %swap3A_865 = tpu.vector_load %arg21[%swap3A_864] {strides = array<i32>} : memref<512xi32, #tpu.memory_space<vmem>>, vector<16xi32>,
    tpu.vector_store %arg21[%swap3A_864], %add3A_863 {strides = array<i32>} : memref<512xi32, #tpu.memory_space<vmem>>, vector<16xi32>,
    %get3A_866 = arith.constant 160 : index
    %get3A_867 = tpu.vector_load %arg21[%get3A_866] {strides = array<i32>} : memref<512xi32, #tpu.memory_space<vmem>>, vector<16xi32>,
    %add3A_868 = vector.broadcast %mul3A_805 : i32 to vector<16xi32>
    %add3A_869 = arith.addi %get3A_867, %add3A_868 : vector<16xi32>
    %swap3A_870 = arith.constant 160 : index
    %swap3A_871 = tpu.vector_load %arg21[%swap3A_870] {strides = array<i32>} : memref<512xi32, #tpu.memory_space<vmem>>, vector<16xi32>,
    tpu.vector_store %arg21[%swap3A_870], %add3A_869 {strides = array<i32>} : memref<512xi32, #tpu.memory_space<vmem>>, vector<16xi32>,
    %get3A_872 = arith.constant 176 : index
    %get3A_873 = tpu.vector_load %arg21[%get3A_872] {strides = array<i32>} : memref<512xi32, #tpu.memory_space<vmem>>, vector<16xi32>,
    %add3A_874 = vector.broadcast %mul3A_805 : i32 to vector<16xi32>
    %add3A_875 = arith.addi %get3A_873, %add3A_874 : vector<16xi32>
    %swap3A_876 = arith.constant 176 : index
    %swap3A_877 = tpu.vector_load %arg21[%swap3A_876] {strides = array<i32>} : memref<512xi32, #tpu.memory_space<vmem>>, vector<16xi32>,
    tpu.vector_store %arg21[%swap3A_876], %add3A_875 {strides = array<i32>} : memref<512xi32, #tpu.memory_space<vmem>>, vector<16xi32>,
    %get3A_878 = arith.constant 192 : index
    %get3A_879 = tpu.vector_load %arg21[%get3A_878] {strides = array<i32>} : memref<512xi32, #tpu.memory_space<vmem>>, vector<16xi32>,
    %add3A_880 = vector.broadcast %mul3A_805 : i32 to vector<16xi32>
    %add3A_881 = arith.addi %get3A_879, %add3A_880 : vector<16xi32>
    %swap3A_882 = arith.constant 192 : index
    %swap3A_883 = tpu.vector_load %arg21[%swap3A_882] {strides = array<i32>} : memref<512xi32, #tpu.memory_space<vmem>>, vector<16xi32>,
    tpu.vector_store %arg21[%swap3A_882], %add3A_881 {strides = array<i32>} : memref<512xi32, #tpu.memory_space<vmem>>, vector<16xi32>,
    %get3A_884 = arith.constant 208 : index
    %get3A_885 = tpu.vector_load %arg21[%get3A_884] {strides = array<i32>} : memref<512xi32, #tpu.memory_space<vmem>>, vector<16xi32>,
    %add3A_886 = vector.broadcast %mul3A_805 : i32 to vector<16xi32>
    %add3A_887 = arith.addi %get3A_885, %add3A_886 : vector<16xi32>
    %swap3A_888 = arith.constant 208 : index
    %swap3A_889 = tpu.vector_load %arg21[%swap3A_888] {strides = array<i32>} : memref<512xi32, #tpu.memory_space<vmem>>, vector<16xi32>,
    tpu.vector_store %arg21[%swap3A_888], %add3A_887 {strides = array<i32>} : memref<512xi32, #tpu.memory_space<vmem>>, vector<16xi32>,
    %get3A_890 = arith.constant 224 : index
    %get3A_891 = tpu.vector_load %arg21[%get3A_890] {strides = array<i32>} : memref<512xi32, #tpu.memory_space<vmem>>, vector<16xi32>,
    %add3A_892 = vector.broadcast %mul3A_805 : i32 to vector<16xi32>
    %add3A_893 = arith.addi %get3A_891, %add3A_892 : vector<16xi32>
    %swap3A_894 = arith.constant 224 : index
    %swap3A_895 = tpu.vector_load %arg21[%swap3A_894] {strides = array<i32>} : memref<512xi32, #tpu.memory_space<vmem>>, vector<16xi32>,
    tpu.vector_store %arg21[%swap3A_894], %add3A_893 {strides = array<i32>} : memref<512xi32, #tpu.memory_space<vmem>>, vector<16xi32>,
    %get3A_896 = arith.constant 240 : index
    %get3A_897 = tpu.vector_load %arg21[%get3A_896] {strides = array<i32>} : memref<512xi32, #tpu.memory_space<vmem>>, vector<16xi32>,
    %add3A_898 = vector.broadcast %mul3A_805 : i32 to vector<16xi32>
    %add3A_899 = arith.addi %get3A_897, %add3A_898 : vector<16xi32>
    %swap3A_900 = arith.constant 240 : index
    %swap3A_901 = tpu.vector_load %arg21[%swap3A_900] {strides = array<i32>} : memref<512xi32, #tpu.memory_space<vmem>>, vector<16xi32>,
    tpu.vector_store %arg21[%swap3A_900], %add3A_899 {strides = array<i32>} : memref<512xi32, #tpu.memory_space<vmem>>, vector<16xi32>,
    %get3A_902 = arith.constant 256 : index
    %get3A_903 = tpu.vector_load %arg21[%get3A_902] {strides = array<i32>} : memref<512xi32, #tpu.memory_space<vmem>>, vector<16xi32>,
    %add3A_904 = vector.broadcast %mul3A_805 : i32 to vector<16xi32>
    %add3A_905 = arith.addi %get3A_903, %add3A_904 : vector<16xi32>
    %swap3A_906 = arith.constant 256 : index
    %swap3A_907 = tpu.vector_load %arg21[%swap3A_906] {strides = array<i32>} : memref<512xi32, #tpu.memory_space<vmem>>, vector<16xi32>,
    tpu.vector_store %arg21[%swap3A_906], %add3A_905 {strides = array<i32>} : memref<512xi32, #tpu.memory_space<vmem>>, vector<16xi32>,
    %get3A_908 = arith.constant 272 : index
    %get3A_909 = tpu.vector_load %arg21[%get3A_908] {strides = array<i32>} : memref<512xi32, #tpu.memory_space<vmem>>, vector<16xi32>,
    %add3A_910 = vector.broadcast %mul3A_805 : i32 to vector<16xi32>
    %add3A_911 = arith.addi %get3A_909, %add3A_910 : vector<16xi32>
    %swap3A_912 = arith.constant 272 : index
    %swap3A_913 = tpu.vector_load %arg21[%swap3A_912] {strides = array<i32>} : memref<512xi32, #tpu.memory_space<vmem>>, vector<16xi32>,
    tpu.vector_store %arg21[%swap3A_912], %add3A_911 {strides = array<i32>} : memref<512xi32, #tpu.memory_space<vmem>>, vector<16xi32>,
    %get3A_914 = arith.constant 288 : index
    %get3A_915 = tpu.vector_load %arg21[%get3A_914] {strides = array<i32>} : memref<512xi32, #tpu.memory_space<vmem>>, vector<16xi32>,
    %add3A_916 = vector.broadcast %mul3A_805 : i32 to vector<16xi32>
    %add3A_917 = arith.addi %get3A_915, %add3A_916 : vector<16xi32>
    %swap3A_918 = arith.constant 288 : index
    %swap3A_919 = tpu.vector_load %arg21[%swap3A_918] {strides = array<i32>} : memref<512xi32, #tpu.memory_space<vmem>>, vector<16xi32>,
    tpu.vector_store %arg21[%swap3A_918], %add3A_917 {strides = array<i32>} : memref<512xi32, #tpu.memory_space<vmem>>, vector<16xi32>,
    %get3A_920 = arith.constant 304 : index
    %get3A_921 = tpu.vector_load %arg21[%get3A_920] {strides = array<i32>} : memref<512xi32, #tpu.memory_space<vmem>>, vector<16xi32>,
    %add3A_922 = vector.broadcast %mul3A_805 : i32 to vector<16xi32>
    %add3A_923 = arith.addi %get3A_921, %add3A_922 : vector<16xi32>
    %swap3A_924 = arith.constant 304 : index
    %swap3A_925 = tpu.vector_load %arg21[%swap3A_924] {strides = array<i32>} : memref<512xi32, #tpu.memory_space<vmem>>, vector<16xi32>,
    tpu.vector_store %arg21[%swap3A_924], %add3A_923 {strides = array<i32>} : memref<512xi32, #tpu.memory_space<vmem>>, vector<16xi32>,
    %get3A_926 = arith.constant 320 : index
    %get3A_927 = tpu.vector_load %arg21[%get3A_926] {strides = array<i32>} : memref<512xi32, #tpu.memory_space<vmem>>, vector<16xi32>,
    %add3A_928 = vector.broadcast %mul3A_805 : i32 to vector<16xi32>
    %add3A_929 = arith.addi %get3A_927, %add3A_928 : vector<16xi32>
    %swap3A_930 = arith.constant 320 : index
    %swap3A_931 = tpu.vector_load %arg21[%swap3A_930] {strides = array<i32>} : memref<512xi32, #tpu.memory_space<vmem>>, vector<16xi32>,
    tpu.vector_store %arg21[%swap3A_930], %add3A_929 {strides = array<i32>} : memref<512xi32, #tpu.memory_space<vmem>>, vector<16xi32>,
    %get3A_932 = arith.constant 336 : index
    %get3A_933 = tpu.vector_load %arg21[%get3A_932] {strides = array<i32>} : memref<512xi32, #tpu.memory_space<vmem>>, vector<16xi32>,
    %add3A_934 = vector.broadcast %mul3A_805 : i32 to vector<16xi32>
    %add3A_935 = arith.addi %get3A_933, %add3A_934 : vector<16xi32>
    %swap3A_936 = arith.constant 336 : index
    %swap3A_937 = tpu.vector_load %arg21[%swap3A_936] {strides = array<i32>} : memref<512xi32, #tpu.memory_space<vmem>>, vector<16xi32>,
    tpu.vector_store %arg21[%swap3A_936], %add3A_935 {strides = array<i32>} : memref<512xi32, #tpu.memory_space<vmem>>, vector<16xi32>,
    %get3A_938 = arith.constant 352 : index
    %get3A_939 = tpu.vector_load %arg21[%get3A_938] {strides = array<i32>} : memref<512xi32, #tpu.memory_space<vmem>>, vector<16xi32>,
    %add3A_940 = vector.broadcast %mul3A_805 : i32 to vector<16xi32>
    %add3A_941 = arith.addi %get3A_939, %add3A_940 : vector<16xi32>
    %swap3A_942 = arith.constant 352 : index
    %swap3A_943 = tpu.vector_load %arg21[%swap3A_942] {strides = array<i32>} : memref<512xi32, #tpu.memory_space<vmem>>, vector<16xi32>,
    tpu.vector_store %arg21[%swap3A_942], %add3A_941 {strides = array<i32>} : memref<512xi32, #tpu.memory_space<vmem>>, vector<16xi32>,
    %get3A_944 = arith.constant 368 : index
    %get3A_945 = tpu.vector_load %arg21[%get3A_944] {strides = array<i32>} : memref<512xi32, #tpu.memory_space<vmem>>, vector<16xi32>,
    %add3A_946 = vector.broadcast %mul3A_805 : i32 to vector<16xi32>
    %add3A_947 = arith.addi %get3A_945, %add3A_946 : vector<16xi32>
    %swap3A_948 = arith.constant 368 : index
    %swap3A_949 = tpu.vector_load %arg21[%swap3A_948] {strides = array<i32>} : memref<512xi32, #tpu.memory_space<vmem>>, vector<16xi32>,
    tpu.vector_store %arg21[%swap3A_948], %add3A_947 {strides = array<i32>} : memref<512xi32, #tpu.memory_space<vmem>>, vector<16xi32>,
    %get3A_950 = arith.constant 384 : index
    %get3A_951 = tpu.vector_load %arg21[%get3A_950] {strides = array<i32>} : memref<512xi32, #tpu.memory_space<vmem>>, vector<16xi32>,
    %add3A_952 = vector.broadcast %mul3A_805 : i32 to vector<16xi32>
    %add3A_953 = arith.addi %get3A_951, %add3A_952 : vector<16xi32>
    %swap3A_954 = arith.constant 384 : index
    %swap3A_955 = tpu.vector_load %arg21[%swap3A_954] {strides = array<i32>} : memref<512xi32, #tpu.memory_space<vmem>>, vector<16xi32>,
    tpu.vector_store %arg21[%swap3A_954], %add3A_953 {strides = array<i32>} : memref<512xi32, #tpu.memory_space<vmem>>, vector<16xi32>,
    %get3A_956 = arith.constant 400 : index
    %get3A_957 = tpu.vector_load %arg21[%get3A_956] {strides = array<i32>} : memref<512xi32, #tpu.memory_space<vmem>>, vector<16xi32>,
    %add3A_958 = vector.broadcast %mul3A_805 : i32 to vector<16xi32>
    %add3A_959 = arith.addi %get3A_957, %add3A_958 : vector<16xi32>
    %swap3A_960 = arith.constant 400 : index
    %swap3A_961 = tpu.vector_load %arg21[%swap3A_960] {strides = array<i32>} : memref<512xi32, #tpu.memory_space<vmem>>, vector<16xi32>,
    tpu.vector_store %arg21[%swap3A_960], %add3A_959 {strides = array<i32>} : memref<512xi32, #tpu.memory_space<vmem>>, vector<16xi32>,
    %get3A_962 = arith.constant 416 : index
    %get3A_963 = tpu.vector_load %arg21[%get3A_962] {strides = array<i32>} : memref<512xi32, #tpu.memory_space<vmem>>, vector<16xi32>,
    %add3A_964 = vector.broadcast %mul3A_805 : i32 to vector<16xi32>
    %add3A_965 = arith.addi %get3A_963, %add3A_964 : vector<16xi32>
    %swap3A_966 = arith.constant 416 : index
    %swap3A_967 = tpu.vector_load %arg21[%swap3A_966] {strides = array<i32>} : memref<512xi32, #tpu.memory_space<vmem>>, vector<16xi32>,
    tpu.vector_store %arg21[%swap3A_966], %add3A_965 {strides = array<i32>} : memref<512xi32, #tpu.memory_space<vmem>>, vector<16xi32>,
    %get3A_968 = arith.constant 432 : index
    %get3A_969 = tpu.vector_load %arg21[%get3A_968] {strides = array<i32>} : memref<512xi32, #tpu.memory_space<vmem>>, vector<16xi32>,
    %add3A_970 = vector.broadcast %mul3A_805 : i32 to vector<16xi32>
    %add3A_971 = arith.addi %get3A_969, %add3A_970 : vector<16xi32>
    %swap3A_972 = arith.constant 432 : index
    %swap3A_973 = tpu.vector_load %arg21[%swap3A_972] {strides = array<i32>} : memref<512xi32, #tpu.memory_space<vmem>>, vector<16xi32>,
    tpu.vector_store %arg21[%swap3A_972], %add3A_971 {strides = array<i32>} : memref<512xi32, #tpu.memory_space<vmem>>, vector<16xi32>,
    %get3A_974 = arith.constant 448 : index
    %get3A_975 = tpu.vector_load %arg21[%get3A_974] {strides = array<i32>} : memref<512xi32, #tpu.memory_space<vmem>>, vector<16xi32>,
    %add3A_976 = vector.broadcast %mul3A_805 : i32 to vector<16xi32>
    %add3A_977 = arith.addi %get3A_975, %add3A_976 : vector<16xi32>
    %swap3A_978 = arith.constant 448 : index
    %swap3A_979 = tpu.vector_load %arg21[%swap3A_978] {strides = array<i32>} : memref<512xi32, #tpu.memory_space<vmem>>, vector<16xi32>,
    tpu.vector_store %arg21[%swap3A_978], %add3A_977 {strides = array<i32>} : memref<512xi32, #tpu.memory_space<vmem>>, vector<16xi32>,
    %get3A_980 = arith.constant 464 : index
    %get3A_981 = tpu.vector_load %arg21[%get3A_980] {strides = array<i32>} : memref<512xi32, #tpu.memory_space<vmem>>, vector<16xi32>,
    %add3A_982 = vector.broadcast %mul3A_805 : i32 to vector<16xi32>
    %add3A_983 = arith.addi %get3A_981, %add3A_982 : vector<16xi32>
    %swap3A_984 = arith.constant 464 : index
    %swap3A_985 = tpu.vector_load %arg21[%swap3A_984] {strides = array<i32>} : memref<512xi32, #tpu.memory_space<vmem>>, vector<16xi32>,
    tpu.vector_store %arg21[%swap3A_984], %add3A_983 {strides = array<i32>} : memref<512xi32, #tpu.memory_space<vmem>>, vector<16xi32>,
    %get3A_986 = arith.constant 480 : index
    %get3A_987 = tpu.vector_load %arg21[%get3A_986] {strides = array<i32>} : memref<512xi32, #tpu.memory_space<vmem>>, vector<16xi32>,
    %add3A_988 = vector.broadcast %mul3A_805 : i32 to vector<16xi32>
    %add3A_989 = arith.addi %get3A_987, %add3A_988 : vector<16xi32>
    %swap3A_990 = arith.constant 480 : index
    %swap3A_991 = tpu.vector_load %arg21[%swap3A_990] {strides = array<i32>} : memref<512xi32, #tpu.memory_space<vmem>>, vector<16xi32>,
    tpu.vector_store %arg21[%swap3A_990], %add3A_989 {strides = array<i32>} : memref<512xi32, #tpu.memory_space<vmem>>, vector<16xi32>,
    %get3A_992 = arith.constant 496 : index
    %get3A_993 = tpu.vector_load %arg21[%get3A_992] {strides = array<i32>} : memref<512xi32, #tpu.memory_space<vmem>>, vector<16xi32>,
    %add3A_994 = vector.broadcast %mul3A_805 : i32 to vector<16xi32>
    %add3A_995 = arith.addi %get3A_993, %add3A_994 : vector<16xi32>
    %swap3A_996 = arith.constant 496 : index
    %swap3A_997 = tpu.vector_load %arg21[%swap3A_996] {strides = array<i32>} : memref<512xi32, #tpu.memory_space<vmem>>, vector<16xi32>,
    tpu.vector_store %arg21[%swap3A_996], %add3A_995 {strides = array<i32>} : memref<512xi32, #tpu.memory_space<vmem>>, vector<16xi32>,
    %dma_start3A_998 = arith.constant 0 : i32
    %dma_start3A_999 = tpu.memref_slice %arg17[%dma_start3A_998] : memref<512xi32, #tpu.memory_space<vmem>> -> memref<256xi32, #tpu.memory_space<vmem>>
    %dma_start3A_1000 = arith.constant 0 : i32
    %dma_start3A_1001 = arith.constant 0 : i32
    %dma_start3A_1002 = tpu.memref_slice %arg7[%dma_start3A_1000, %dma_start3A_1001] : memref<2048x128xf32, #tpu.memory_space<hbm>> -> memref<2048x128xf32, #tpu.memory_space<hbm>>
    tpu.enqueue_indirect_dma source(%dma_start3A_1002 : memref<2048x128xf32, #tpu.memory_space<hbm>>) target(%arg22 : memref<256x128xf32, #tpu.memory_space<vmem>>) offsets(%dma_start3A_999 : memref<256xi32, #tpu.memory_space<vmem>>) semaphore(%arg25 : memref<!tpu.dma_semaphore, #tpu.memory_space<semaphore_mem>>)
    %dma_start3A_1003 = arith.constant 0 : i32
    %dma_start3A_1004 = tpu.memref_slice %arg18[%dma_start3A_1003] : memref<512xi32, #tpu.memory_space<vmem>> -> memref<256xi32, #tpu.memory_space<vmem>>
    %dma_start3A_1005 = arith.constant 0 : i32
    %dma_start3A_1006 = arith.constant 0 : i32
    %dma_start3A_1007 = tpu.memref_slice %arg8[%dma_start3A_1005, %dma_start3A_1006] : memref<2048x128xf32, #tpu.memory_space<hbm>> -> memref<2048x128xf32, #tpu.memory_space<hbm>>
    tpu.enqueue_indirect_dma source(%dma_start3A_1007 : memref<2048x128xf32, #tpu.memory_space<hbm>>) target(%arg23 : memref<256x128xf32, #tpu.memory_space<vmem>>) offsets(%dma_start3A_1004 : memref<256xi32, #tpu.memory_space<vmem>>) semaphore(%arg26 : memref<!tpu.dma_semaphore, #tpu.memory_space<semaphore_mem>>)
    %dma_wait3A_1008 = arith.constant 0 : i32
    %dma_wait3A_1009 = tpu.memref_slice %arg17[%dma_wait3A_1008] : memref<512xi32, #tpu.memory_space<vmem>> -> memref<256xi32, #tpu.memory_space<vmem>>
    %dma_wait3A_1010 = arith.constant 0 : i32
    %dma_wait3A_1011 = arith.constant 0 : i32
    %dma_wait3A_1012 = tpu.memref_slice %arg7[%dma_wait3A_1010, %dma_wait3A_1011] : memref<2048x128xf32, #tpu.memory_space<hbm>> -> memref<2048x128xf32, #tpu.memory_space<hbm>>
    tpu.wait_indirect_dma semaphore(%arg25 : memref<!tpu.dma_semaphore, #tpu.memory_space<semaphore_mem>>) src(%dma_wait3A_1012 : memref<2048x128xf32, #tpu.memory_space<hbm>>) dst(%arg22 : memref<256x128xf32, #tpu.memory_space<vmem>>)
    %add3A_1013 = arith.constant 0 : i32
    %add3A_1014 = arith.addi %mul3A_2, %add3A_1013 : i32
    %dma_start3A_1015 = arith.constant 0 : i32
    %dma_start3A_1016 = tpu.memref_slice %arg12[%add3A_1014, %dma_start3A_1015] : memref<16384x128xf32, #tpu.memory_space<hbm>> -> memref<256x128xf32, #tpu.memory_space<hbm>>
    %dma_start3A_1017 = arith.constant 0 : i32
    %dma_start3A_1018 = tpu.memref_slice %arg12[%add3A_1014, %dma_start3A_1017] : memref<16384x128xf32, #tpu.memory_space<hbm>> -> memref<256x128xf32, #tpu.memory_space<hbm>>
    tpu.enqueue_dma source(%arg22 : memref<256x128xf32, #tpu.memory_space<vmem>>) target(%dma_start3A_1018 : memref<256x128xf32, #tpu.memory_space<hbm>>) target_semaphore(%arg28 : memref<!tpu.dma_semaphore, #tpu.memory_space<semaphore_mem>>)
    %dma_start3A_1019 = arith.constant 0 : i32
    %dma_start3A_1020 = tpu.memref_slice %arg19[%dma_start3A_1019] : memref<512xi32, #tpu.memory_space<vmem>> -> memref<256xi32, #tpu.memory_space<vmem>>
    %dma_start3A_1021 = arith.constant 0 : i32
    %dma_start3A_1022 = arith.constant 0 : i32
    %dma_start3A_1023 = tpu.memref_slice %arg9[%dma_start3A_1021, %dma_start3A_1022] : memref<224x128xf32, #tpu.memory_space<hbm>> -> memref<224x128xf32, #tpu.memory_space<hbm>>
    tpu.enqueue_indirect_dma source(%dma_start3A_1023 : memref<224x128xf32, #tpu.memory_space<hbm>>) target(%arg24 : memref<256x128xf32, #tpu.memory_space<vmem>>) offsets(%dma_start3A_1020 : memref<256xi32, #tpu.memory_space<vmem>>) semaphore(%arg27 : memref<!tpu.dma_semaphore, #tpu.memory_space<semaphore_mem>>)
    %dma_wait3A_1024 = arith.constant 0 : i32
    %dma_wait3A_1025 = tpu.memref_slice %arg18[%dma_wait3A_1024] : memref<512xi32, #tpu.memory_space<vmem>> -> memref<256xi32, #tpu.memory_space<vmem>>
    %dma_wait3A_1026 = arith.constant 0 : i32
    %dma_wait3A_1027 = arith.constant 0 : i32
    %dma_wait3A_1028 = tpu.memref_slice %arg8[%dma_wait3A_1026, %dma_wait3A_1027] : memref<2048x128xf32, #tpu.memory_space<hbm>> -> memref<2048x128xf32, #tpu.memory_space<hbm>>
    tpu.wait_indirect_dma semaphore(%arg26 : memref<!tpu.dma_semaphore, #tpu.memory_space<semaphore_mem>>) src(%dma_wait3A_1028 : memref<2048x128xf32, #tpu.memory_space<hbm>>) dst(%arg23 : memref<256x128xf32, #tpu.memory_space<vmem>>)
    %add3A_1029 = arith.constant 0 : i32
    %add3A_1030 = arith.addi %mul3A_2, %add3A_1029 : i32
    %dma_start3A_1031 = arith.constant 0 : i32
    %dma_start3A_1032 = tpu.memref_slice %arg13[%add3A_1030, %dma_start3A_1031] : memref<16384x128xf32, #tpu.memory_space<hbm>> -> memref<256x128xf32, #tpu.memory_space<hbm>>
    %dma_start3A_1033 = arith.constant 0 : i32
    %dma_start3A_1034 = tpu.memref_slice %arg13[%add3A_1030, %dma_start3A_1033] : memref<16384x128xf32, #tpu.memory_space<hbm>> -> memref<256x128xf32, #tpu.memory_space<hbm>>
    tpu.enqueue_dma source(%arg23 : memref<256x128xf32, #tpu.memory_space<vmem>>) target(%dma_start3A_1034 : memref<256x128xf32, #tpu.memory_space<hbm>>) target_semaphore(%arg29 : memref<!tpu.dma_semaphore, #tpu.memory_space<semaphore_mem>>)
    %dma_wait3A_1035 = arith.constant 0 : i32
    %dma_wait3A_1036 = tpu.memref_slice %arg12[%add3A_1014, %dma_wait3A_1035] : memref<16384x128xf32, #tpu.memory_space<hbm>> -> memref<256x128xf32, #tpu.memory_space<hbm>>
    %dma_wait3A_1037 = arith.constant 0 : i32
    %dma_wait3A_1038 = tpu.memref_slice %arg12[%add3A_1014, %dma_wait3A_1037] : memref<16384x128xf32, #tpu.memory_space<hbm>> -> memref<256x128xf32, #tpu.memory_space<hbm>>
    tpu.wait_dma2 semaphore(%arg28 : memref<!tpu.dma_semaphore, #tpu.memory_space<semaphore_mem>>) src(%arg22 : memref<256x128xf32, #tpu.memory_space<vmem>>) dst(%dma_wait3A_1038 : memref<256x128xf32, #tpu.memory_space<hbm>>)
    %dma_start3A_1039 = arith.constant 0 : i32
    %dma_start3A_1040 = tpu.memref_slice %arg20[%dma_start3A_1039] : memref<512xi32, #tpu.memory_space<vmem>> -> memref<256xi32, #tpu.memory_space<vmem>>
    %dma_start3A_1041 = arith.constant 0 : i32
    %dma_start3A_1042 = arith.constant 0 : i32
    %dma_start3A_1043 = tpu.memref_slice %arg10[%dma_start3A_1041, %dma_start3A_1042] : memref<768x128xf32, #tpu.memory_space<hbm>> -> memref<768x128xf32, #tpu.memory_space<hbm>>
    tpu.enqueue_indirect_dma source(%dma_start3A_1043 : memref<768x128xf32, #tpu.memory_space<hbm>>) target(%arg22 : memref<256x128xf32, #tpu.memory_space<vmem>>) offsets(%dma_start3A_1040 : memref<256xi32, #tpu.memory_space<vmem>>) semaphore(%arg25 : memref<!tpu.dma_semaphore, #tpu.memory_space<semaphore_mem>>)
    %dma_wait3A_1044 = arith.constant 0 : i32
    %dma_wait3A_1045 = tpu.memref_slice %arg19[%dma_wait3A_1044] : memref<512xi32, #tpu.memory_space<vmem>> -> memref<256xi32, #tpu.memory_space<vmem>>
    %dma_wait3A_1046 = arith.constant 0 : i32
    %dma_wait3A_1047 = arith.constant 0 : i32
    %dma_wait3A_1048 = tpu.memref_slice %arg9[%dma_wait3A_1046, %dma_wait3A_1047] : memref<224x128xf32, #tpu.memory_space<hbm>> -> memref<224x128xf32, #tpu.memory_space<hbm>>
    tpu.wait_indirect_dma semaphore(%arg27 : memref<!tpu.dma_semaphore, #tpu.memory_space<semaphore_mem>>) src(%dma_wait3A_1048 : memref<224x128xf32, #tpu.memory_space<hbm>>) dst(%arg24 : memref<256x128xf32, #tpu.memory_space<vmem>>)
    %add3A_1049 = arith.constant 0 : i32
    %add3A_1050 = arith.addi %mul3A_2, %add3A_1049 : i32
    %dma_start3A_1051 = arith.constant 0 : i32
    %dma_start3A_1052 = tpu.memref_slice %arg14[%add3A_1050, %dma_start3A_1051] : memref<16384x128xf32, #tpu.memory_space<hbm>> -> memref<256x128xf32, #tpu.memory_space<hbm>>
    %dma_start3A_1053 = arith.constant 0 : i32
    %dma_start3A_1054 = tpu.memref_slice %arg14[%add3A_1050, %dma_start3A_1053] : memref<16384x128xf32, #tpu.memory_space<hbm>> -> memref<256x128xf32, #tpu.memory_space<hbm>>
    tpu.enqueue_dma source(%arg24 : memref<256x128xf32, #tpu.memory_space<vmem>>) target(%dma_start3A_1054 : memref<256x128xf32, #tpu.memory_space<hbm>>) target_semaphore(%arg30 : memref<!tpu.dma_semaphore, #tpu.memory_space<semaphore_mem>>)
    %dma_wait3A_1055 = arith.constant 0 : i32
    %dma_wait3A_1056 = tpu.memref_slice %arg13[%add3A_1030, %dma_wait3A_1055] : memref<16384x128xf32, #tpu.memory_space<hbm>> -> memref<256x128xf32, #tpu.memory_space<hbm>>
    %dma_wait3A_1057 = arith.constant 0 : i32
    %dma_wait3A_1058 = tpu.memref_slice %arg13[%add3A_1030, %dma_wait3A_1057] : memref<16384x128xf32, #tpu.memory_space<hbm>> -> memref<256x128xf32, #tpu.memory_space<hbm>>
    tpu.wait_dma2 semaphore(%arg29 : memref<!tpu.dma_semaphore, #tpu.memory_space<semaphore_mem>>) src(%arg23 : memref<256x128xf32, #tpu.memory_space<vmem>>) dst(%dma_wait3A_1058 : memref<256x128xf32, #tpu.memory_space<hbm>>)
    %dma_start3A_1059 = arith.constant 0 : i32
    %dma_start3A_1060 = tpu.memref_slice %arg21[%dma_start3A_1059] : memref<512xi32, #tpu.memory_space<vmem>> -> memref<256xi32, #tpu.memory_space<vmem>>
    %dma_start3A_1061 = arith.constant 0 : i32
    %dma_start3A_1062 = arith.constant 0 : i32
    %dma_start3A_1063 = tpu.memref_slice %arg11[%dma_start3A_1061, %dma_start3A_1062] : memref<4592x128xf32, #tpu.memory_space<hbm>> -> memref<4592x128xf32, #tpu.memory_space<hbm>>
    tpu.enqueue_indirect_dma source(%dma_start3A_1063 : memref<4592x128xf32, #tpu.memory_space<hbm>>) target(%arg23 : memref<256x128xf32, #tpu.memory_space<vmem>>) offsets(%dma_start3A_1060 : memref<256xi32, #tpu.memory_space<vmem>>) semaphore(%arg26 : memref<!tpu.dma_semaphore, #tpu.memory_space<semaphore_mem>>)
    %dma_wait3A_1064 = arith.constant 0 : i32
    %dma_wait3A_1065 = tpu.memref_slice %arg20[%dma_wait3A_1064] : memref<512xi32, #tpu.memory_space<vmem>> -> memref<256xi32, #tpu.memory_space<vmem>>
    %dma_wait3A_1066 = arith.constant 0 : i32
    %dma_wait3A_1067 = arith.constant 0 : i32
    %dma_wait3A_1068 = tpu.memref_slice %arg10[%dma_wait3A_1066, %dma_wait3A_1067] : memref<768x128xf32, #tpu.memory_space<hbm>> -> memref<768x128xf32, #tpu.memory_space<hbm>>
    tpu.wait_indirect_dma semaphore(%arg25 : memref<!tpu.dma_semaphore, #tpu.memory_space<semaphore_mem>>) src(%dma_wait3A_1068 : memref<768x128xf32, #tpu.memory_space<hbm>>) dst(%arg22 : memref<256x128xf32, #tpu.memory_space<vmem>>)
    %add3A_1069 = arith.constant 0 : i32
    %add3A_1070 = arith.addi %mul3A_2, %add3A_1069 : i32
    %dma_start3A_1071 = arith.constant 0 : i32
    %dma_start3A_1072 = tpu.memref_slice %arg15[%add3A_1070, %dma_start3A_1071] : memref<16384x128xf32, #tpu.memory_space<hbm>> -> memref<256x128xf32, #tpu.memory_space<hbm>>
    %dma_start3A_1073 = arith.constant 0 : i32
    %dma_start3A_1074 = tpu.memref_slice %arg15[%add3A_1070, %dma_start3A_1073] : memref<16384x128xf32, #tpu.memory_space<hbm>> -> memref<256x128xf32, #tpu.memory_space<hbm>>
    tpu.enqueue_dma source(%arg22 : memref<256x128xf32, #tpu.memory_space<vmem>>) target(%dma_start3A_1074 : memref<256x128xf32, #tpu.memory_space<hbm>>) target_semaphore(%arg28 : memref<!tpu.dma_semaphore, #tpu.memory_space<semaphore_mem>>)
    %dma_wait3A_1075 = arith.constant 0 : i32
    %dma_wait3A_1076 = tpu.memref_slice %arg14[%add3A_1050, %dma_wait3A_1075] : memref<16384x128xf32, #tpu.memory_space<hbm>> -> memref<256x128xf32, #tpu.memory_space<hbm>>
    %dma_wait3A_1077 = arith.constant 0 : i32
    %dma_wait3A_1078 = tpu.memref_slice %arg14[%add3A_1050, %dma_wait3A_1077] : memref<16384x128xf32, #tpu.memory_space<hbm>> -> memref<256x128xf32, #tpu.memory_space<hbm>>
    tpu.wait_dma2 semaphore(%arg30 : memref<!tpu.dma_semaphore, #tpu.memory_space<semaphore_mem>>) src(%arg24 : memref<256x128xf32, #tpu.memory_space<vmem>>) dst(%dma_wait3A_1078 : memref<256x128xf32, #tpu.memory_space<hbm>>)
    %dma_start3A_1079 = arith.constant 256 : i32
    %dma_start3A_1080 = tpu.memref_slice %arg17[%dma_start3A_1079] : memref<512xi32, #tpu.memory_space<vmem>> -> memref<256xi32, #tpu.memory_space<vmem>>
    %dma_start3A_1081 = arith.constant 0 : i32
    %dma_start3A_1082 = arith.constant 0 : i32
    %dma_start3A_1083 = tpu.memref_slice %arg7[%dma_start3A_1081, %dma_start3A_1082] : memref<2048x128xf32, #tpu.memory_space<hbm>> -> memref<2048x128xf32, #tpu.memory_space<hbm>>
    tpu.enqueue_indirect_dma source(%dma_start3A_1083 : memref<2048x128xf32, #tpu.memory_space<hbm>>) target(%arg24 : memref<256x128xf32, #tpu.memory_space<vmem>>) offsets(%dma_start3A_1080 : memref<256xi32, #tpu.memory_space<vmem>>) semaphore(%arg27 : memref<!tpu.dma_semaphore, #tpu.memory_space<semaphore_mem>>)
    %dma_wait3A_1084 = arith.constant 0 : i32
    %dma_wait3A_1085 = tpu.memref_slice %arg21[%dma_wait3A_1084] : memref<512xi32, #tpu.memory_space<vmem>> -> memref<256xi32, #tpu.memory_space<vmem>>
    %dma_wait3A_1086 = arith.constant 0 : i32
    %dma_wait3A_1087 = arith.constant 0 : i32
    %dma_wait3A_1088 = tpu.memref_slice %arg11[%dma_wait3A_1086, %dma_wait3A_1087] : memref<4592x128xf32, #tpu.memory_space<hbm>> -> memref<4592x128xf32, #tpu.memory_space<hbm>>
    tpu.wait_indirect_dma semaphore(%arg26 : memref<!tpu.dma_semaphore, #tpu.memory_space<semaphore_mem>>) src(%dma_wait3A_1088 : memref<4592x128xf32, #tpu.memory_space<hbm>>) dst(%arg23 : memref<256x128xf32, #tpu.memory_space<vmem>>)
    %add3A_1089 = arith.constant 0 : i32
    %add3A_1090 = arith.addi %mul3A_2, %add3A_1089 : i32
    %dma_start3A_1091 = arith.constant 0 : i32
    %dma_start3A_1092 = tpu.memref_slice %arg16[%add3A_1090, %dma_start3A_1091] : memref<16384x128xf32, #tpu.memory_space<hbm>> -> memref<256x128xf32, #tpu.memory_space<hbm>>
    %dma_start3A_1093 = arith.constant 0 : i32
    %dma_start3A_1094 = tpu.memref_slice %arg16[%add3A_1090, %dma_start3A_1093] : memref<16384x128xf32, #tpu.memory_space<hbm>> -> memref<256x128xf32, #tpu.memory_space<hbm>>
    tpu.enqueue_dma source(%arg23 : memref<256x128xf32, #tpu.memory_space<vmem>>) target(%dma_start3A_1094 : memref<256x128xf32, #tpu.memory_space<hbm>>) target_semaphore(%arg29 : memref<!tpu.dma_semaphore, #tpu.memory_space<semaphore_mem>>)
    %dma_wait3A_1095 = arith.constant 0 : i32
    %dma_wait3A_1096 = tpu.memref_slice %arg15[%add3A_1070, %dma_wait3A_1095] : memref<16384x128xf32, #tpu.memory_space<hbm>> -> memref<256x128xf32, #tpu.memory_space<hbm>>
    %dma_wait3A_1097 = arith.constant 0 : i32
    %dma_wait3A_1098 = tpu.memref_slice %arg15[%add3A_1070, %dma_wait3A_1097] : memref<16384x128xf32, #tpu.memory_space<hbm>> -> memref<256x128xf32, #tpu.memory_space<hbm>>
    tpu.wait_dma2 semaphore(%arg28 : memref<!tpu.dma_semaphore, #tpu.memory_space<semaphore_mem>>) src(%arg22 : memref<256x128xf32, #tpu.memory_space<vmem>>) dst(%dma_wait3A_1098 : memref<256x128xf32, #tpu.memory_space<hbm>>)
    %dma_start3A_1099 = arith.constant 256 : i32
    %dma_start3A_1100 = tpu.memref_slice %arg18[%dma_start3A_1099] : memref<512xi32, #tpu.memory_space<vmem>> -> memref<256xi32, #tpu.memory_space<vmem>>
    %dma_start3A_1101 = arith.constant 0 : i32
    %dma_start3A_1102 = arith.constant 0 : i32
    %dma_start3A_1103 = tpu.memref_slice %arg8[%dma_start3A_1101, %dma_start3A_1102] : memref<2048x128xf32, #tpu.memory_space<hbm>> -> memref<2048x128xf32, #tpu.memory_space<hbm>>
    tpu.enqueue_indirect_dma source(%dma_start3A_1103 : memref<2048x128xf32, #tpu.memory_space<hbm>>) target(%arg22 : memref<256x128xf32, #tpu.memory_space<vmem>>) offsets(%dma_start3A_1100 : memref<256xi32, #tpu.memory_space<vmem>>) semaphore(%arg25 : memref<!tpu.dma_semaphore, #tpu.memory_space<semaphore_mem>>)
    %dma_wait3A_1104 = arith.constant 256 : i32
    %dma_wait3A_1105 = tpu.memref_slice %arg17[%dma_wait3A_1104] : memref<512xi32, #tpu.memory_space<vmem>> -> memref<256xi32, #tpu.memory_space<vmem>>
    %dma_wait3A_1106 = arith.constant 0 : i32
    %dma_wait3A_1107 = arith.constant 0 : i32
    %dma_wait3A_1108 = tpu.memref_slice %arg7[%dma_wait3A_1106, %dma_wait3A_1107] : memref<2048x128xf32, #tpu.memory_space<hbm>> -> memref<2048x128xf32, #tpu.memory_space<hbm>>
    tpu.wait_indirect_dma semaphore(%arg27 : memref<!tpu.dma_semaphore, #tpu.memory_space<semaphore_mem>>) src(%dma_wait3A_1108 : memref<2048x128xf32, #tpu.memory_space<hbm>>) dst(%arg24 : memref<256x128xf32, #tpu.memory_space<vmem>>)
    %add3A_1109 = arith.constant 256 : i32
    %add3A_1110 = arith.addi %mul3A_2, %add3A_1109 : i32
    %dma_start3A_1111 = arith.constant 0 : i32
    %dma_start3A_1112 = tpu.memref_slice %arg12[%add3A_1110, %dma_start3A_1111] : memref<16384x128xf32, #tpu.memory_space<hbm>> -> memref<256x128xf32, #tpu.memory_space<hbm>>
    %dma_start3A_1113 = arith.constant 0 : i32
    %dma_start3A_1114 = tpu.memref_slice %arg12[%add3A_1110, %dma_start3A_1113] : memref<16384x128xf32, #tpu.memory_space<hbm>> -> memref<256x128xf32, #tpu.memory_space<hbm>>
    tpu.enqueue_dma source(%arg24 : memref<256x128xf32, #tpu.memory_space<vmem>>) target(%dma_start3A_1114 : memref<256x128xf32, #tpu.memory_space<hbm>>) target_semaphore(%arg30 : memref<!tpu.dma_semaphore, #tpu.memory_space<semaphore_mem>>)
    %dma_wait3A_1115 = arith.constant 0 : i32
    %dma_wait3A_1116 = tpu.memref_slice %arg16[%add3A_1090, %dma_wait3A_1115] : memref<16384x128xf32, #tpu.memory_space<hbm>> -> memref<256x128xf32, #tpu.memory_space<hbm>>
    %dma_wait3A_1117 = arith.constant 0 : i32
    %dma_wait3A_1118 = tpu.memref_slice %arg16[%add3A_1090, %dma_wait3A_1117] : memref<16384x128xf32, #tpu.memory_space<hbm>> -> memref<256x128xf32, #tpu.memory_space<hbm>>
    tpu.wait_dma2 semaphore(%arg29 : memref<!tpu.dma_semaphore, #tpu.memory_space<semaphore_mem>>) src(%arg23 : memref<256x128xf32, #tpu.memory_space<vmem>>) dst(%dma_wait3A_1118 : memref<256x128xf32, #tpu.memory_space<hbm>>)
    %dma_start3A_1119 = arith.constant 256 : i32
    %dma_start3A_1120 = tpu.memref_slice %arg19[%dma_start3A_1119] : memref<512xi32, #tpu.memory_space<vmem>> -> memref<256xi32, #tpu.memory_space<vmem>>
    %dma_start3A_1121 = arith.constant 0 : i32
    %dma_start3A_1122 = arith.constant 0 : i32
    %dma_start3A_1123 = tpu.memref_slice %arg9[%dma_start3A_1121, %dma_start3A_1122] : memref<224x128xf32, #tpu.memory_space<hbm>> -> memref<224x128xf32, #tpu.memory_space<hbm>>
    tpu.enqueue_indirect_dma source(%dma_start3A_1123 : memref<224x128xf32, #tpu.memory_space<hbm>>) target(%arg23 : memref<256x128xf32, #tpu.memory_space<vmem>>) offsets(%dma_start3A_1120 : memref<256xi32, #tpu.memory_space<vmem>>) semaphore(%arg26 : memref<!tpu.dma_semaphore, #tpu.memory_space<semaphore_mem>>)
    %dma_wait3A_1124 = arith.constant 256 : i32
    %dma_wait3A_1125 = tpu.memref_slice %arg18[%dma_wait3A_1124] : memref<512xi32, #tpu.memory_space<vmem>> -> memref<256xi32, #tpu.memory_space<vmem>>
    %dma_wait3A_1126 = arith.constant 0 : i32
    %dma_wait3A_1127 = arith.constant 0 : i32
    %dma_wait3A_1128 = tpu.memref_slice %arg8[%dma_wait3A_1126, %dma_wait3A_1127] : memref<2048x128xf32, #tpu.memory_space<hbm>> -> memref<2048x128xf32, #tpu.memory_space<hbm>>
    tpu.wait_indirect_dma semaphore(%arg25 : memref<!tpu.dma_semaphore, #tpu.memory_space<semaphore_mem>>) src(%dma_wait3A_1128 : memref<2048x128xf32, #tpu.memory_space<hbm>>) dst(%arg22 : memref<256x128xf32, #tpu.memory_space<vmem>>)
    %add3A_1129 = arith.constant 256 : i32
    %add3A_1130 = arith.addi %mul3A_2, %add3A_1129 : i32
    %dma_start3A_1131 = arith.constant 0 : i32
    %dma_start3A_1132 = tpu.memref_slice %arg13[%add3A_1130, %dma_start3A_1131] : memref<16384x128xf32, #tpu.memory_space<hbm>> -> memref<256x128xf32, #tpu.memory_space<hbm>>
    %dma_start3A_1133 = arith.constant 0 : i32
    %dma_start3A_1134 = tpu.memref_slice %arg13[%add3A_1130, %dma_start3A_1133] : memref<16384x128xf32, #tpu.memory_space<hbm>> -> memref<256x128xf32, #tpu.memory_space<hbm>>
    tpu.enqueue_dma source(%arg22 : memref<256x128xf32, #tpu.memory_space<vmem>>) target(%dma_start3A_1134 : memref<256x128xf32, #tpu.memory_space<hbm>>) target_semaphore(%arg28 : memref<!tpu.dma_semaphore, #tpu.memory_space<semaphore_mem>>)
    %dma_wait3A_1135 = arith.constant 0 : i32
    %dma_wait3A_1136 = tpu.memref_slice %arg12[%add3A_1110, %dma_wait3A_1135] : memref<16384x128xf32, #tpu.memory_space<hbm>> -> memref<256x128xf32, #tpu.memory_space<hbm>>
    %dma_wait3A_1137 = arith.constant 0 : i32
    %dma_wait3A_1138 = tpu.memref_slice %arg12[%add3A_1110, %dma_wait3A_1137] : memref<16384x128xf32, #tpu.memory_space<hbm>> -> memref<256x128xf32, #tpu.memory_space<hbm>>
    tpu.wait_dma2 semaphore(%arg30 : memref<!tpu.dma_semaphore, #tpu.memory_space<semaphore_mem>>) src(%arg24 : memref<256x128xf32, #tpu.memory_space<vmem>>) dst(%dma_wait3A_1138 : memref<256x128xf32, #tpu.memory_space<hbm>>)
    %dma_start3A_1139 = arith.constant 256 : i32
    %dma_start3A_1140 = tpu.memref_slice %arg20[%dma_start3A_1139] : memref<512xi32, #tpu.memory_space<vmem>> -> memref<256xi32, #tpu.memory_space<vmem>>
    %dma_start3A_1141 = arith.constant 0 : i32
    %dma_start3A_1142 = arith.constant 0 : i32
    %dma_start3A_1143 = tpu.memref_slice %arg10[%dma_start3A_1141, %dma_start3A_1142] : memref<768x128xf32, #tpu.memory_space<hbm>> -> memref<768x128xf32, #tpu.memory_space<hbm>>
    tpu.enqueue_indirect_dma source(%dma_start3A_1143 : memref<768x128xf32, #tpu.memory_space<hbm>>) target(%arg24 : memref<256x128xf32, #tpu.memory_space<vmem>>) offsets(%dma_start3A_1140 : memref<256xi32, #tpu.memory_space<vmem>>) semaphore(%arg27 : memref<!tpu.dma_semaphore, #tpu.memory_space<semaphore_mem>>)
    %dma_wait3A_1144 = arith.constant 256 : i32
    %dma_wait3A_1145 = tpu.memref_slice %arg19[%dma_wait3A_1144] : memref<512xi32, #tpu.memory_space<vmem>> -> memref<256xi32, #tpu.memory_space<vmem>>
    %dma_wait3A_1146 = arith.constant 0 : i32
    %dma_wait3A_1147 = arith.constant 0 : i32
    %dma_wait3A_1148 = tpu.memref_slice %arg9[%dma_wait3A_1146, %dma_wait3A_1147] : memref<224x128xf32, #tpu.memory_space<hbm>> -> memref<224x128xf32, #tpu.memory_space<hbm>>
    tpu.wait_indirect_dma semaphore(%arg26 : memref<!tpu.dma_semaphore, #tpu.memory_space<semaphore_mem>>) src(%dma_wait3A_1148 : memref<224x128xf32, #tpu.memory_space<hbm>>) dst(%arg23 : memref<256x128xf32, #tpu.memory_space<vmem>>)
    %add3A_1149 = arith.constant 256 : i32
    %add3A_1150 = arith.addi %mul3A_2, %add3A_1149 : i32
    %dma_start3A_1151 = arith.constant 0 : i32
    %dma_start3A_1152 = tpu.memref_slice %arg14[%add3A_1150, %dma_start3A_1151] : memref<16384x128xf32, #tpu.memory_space<hbm>> -> memref<256x128xf32, #tpu.memory_space<hbm>>
    %dma_start3A_1153 = arith.constant 0 : i32
    %dma_start3A_1154 = tpu.memref_slice %arg14[%add3A_1150, %dma_start3A_1153] : memref<16384x128xf32, #tpu.memory_space<hbm>> -> memref<256x128xf32, #tpu.memory_space<hbm>>
    tpu.enqueue_dma source(%arg23 : memref<256x128xf32, #tpu.memory_space<vmem>>) target(%dma_start3A_1154 : memref<256x128xf32, #tpu.memory_space<hbm>>) target_semaphore(%arg29 : memref<!tpu.dma_semaphore, #tpu.memory_space<semaphore_mem>>)
    %dma_wait3A_1155 = arith.constant 0 : i32
    %dma_wait3A_1156 = tpu.memref_slice %arg13[%add3A_1130, %dma_wait3A_1155] : memref<16384x128xf32, #tpu.memory_space<hbm>> -> memref<256x128xf32, #tpu.memory_space<hbm>>
    %dma_wait3A_1157 = arith.constant 0 : i32
    %dma_wait3A_1158 = tpu.memref_slice %arg13[%add3A_1130, %dma_wait3A_1157] : memref<16384x128xf32, #tpu.memory_space<hbm>> -> memref<256x128xf32, #tpu.memory_space<hbm>>
    tpu.wait_dma2 semaphore(%arg28 : memref<!tpu.dma_semaphore, #tpu.memory_space<semaphore_mem>>) src(%arg22 : memref<256x128xf32, #tpu.memory_space<vmem>>) dst(%dma_wait3A_1158 : memref<256x128xf32, #tpu.memory_space<hbm>>)
    %dma_start3A_1159 = arith.constant 256 : i32
    %dma_start3A_1160 = tpu.memref_slice %arg21[%dma_start3A_1159] : memref<512xi32, #tpu.memory_space<vmem>> -> memref<256xi32, #tpu.memory_space<vmem>>
    %dma_start3A_1161 = arith.constant 0 : i32
    %dma_start3A_1162 = arith.constant 0 : i32
    %dma_start3A_1163 = tpu.memref_slice %arg11[%dma_start3A_1161, %dma_start3A_1162] : memref<4592x128xf32, #tpu.memory_space<hbm>> -> memref<4592x128xf32, #tpu.memory_space<hbm>>
    tpu.enqueue_indirect_dma source(%dma_start3A_1163 : memref<4592x128xf32, #tpu.memory_space<hbm>>) target(%arg22 : memref<256x128xf32, #tpu.memory_space<vmem>>) offsets(%dma_start3A_1160 : memref<256xi32, #tpu.memory_space<vmem>>) semaphore(%arg25 : memref<!tpu.dma_semaphore, #tpu.memory_space<semaphore_mem>>)
    %dma_wait3A_1164 = arith.constant 256 : i32
    %dma_wait3A_1165 = tpu.memref_slice %arg20[%dma_wait3A_1164] : memref<512xi32, #tpu.memory_space<vmem>> -> memref<256xi32, #tpu.memory_space<vmem>>
    %dma_wait3A_1166 = arith.constant 0 : i32
    %dma_wait3A_1167 = arith.constant 0 : i32
    %dma_wait3A_1168 = tpu.memref_slice %arg10[%dma_wait3A_1166, %dma_wait3A_1167] : memref<768x128xf32, #tpu.memory_space<hbm>> -> memref<768x128xf32, #tpu.memory_space<hbm>>
    tpu.wait_indirect_dma semaphore(%arg27 : memref<!tpu.dma_semaphore, #tpu.memory_space<semaphore_mem>>) src(%dma_wait3A_1168 : memref<768x128xf32, #tpu.memory_space<hbm>>) dst(%arg24 : memref<256x128xf32, #tpu.memory_space<vmem>>)
    %add3A_1169 = arith.constant 256 : i32
    %add3A_1170 = arith.addi %mul3A_2, %add3A_1169 : i32
    %dma_start3A_1171 = arith.constant 0 : i32
    %dma_start3A_1172 = tpu.memref_slice %arg15[%add3A_1170, %dma_start3A_1171] : memref<16384x128xf32, #tpu.memory_space<hbm>> -> memref<256x128xf32, #tpu.memory_space<hbm>>
    %dma_start3A_1173 = arith.constant 0 : i32
    %dma_start3A_1174 = tpu.memref_slice %arg15[%add3A_1170, %dma_start3A_1173] : memref<16384x128xf32, #tpu.memory_space<hbm>> -> memref<256x128xf32, #tpu.memory_space<hbm>>
    tpu.enqueue_dma source(%arg24 : memref<256x128xf32, #tpu.memory_space<vmem>>) target(%dma_start3A_1174 : memref<256x128xf32, #tpu.memory_space<hbm>>) target_semaphore(%arg30 : memref<!tpu.dma_semaphore, #tpu.memory_space<semaphore_mem>>)
    %dma_wait3A_1175 = arith.constant 256 : i32
    %dma_wait3A_1176 = tpu.memref_slice %arg21[%dma_wait3A_1175] : memref<512xi32, #tpu.memory_space<vmem>> -> memref<256xi32, #tpu.memory_space<vmem>>
    %dma_wait3A_1177 = arith.constant 0 : i32
    %dma_wait3A_1178 = arith.constant 0 : i32
    %dma_wait3A_1179 = tpu.memref_slice %arg11[%dma_wait3A_1177, %dma_wait3A_1178] : memref<4592x128xf32, #tpu.memory_space<hbm>> -> memref<4592x128xf32, #tpu.memory_space<hbm>>
    tpu.wait_indirect_dma semaphore(%arg25 : memref<!tpu.dma_semaphore, #tpu.memory_space<semaphore_mem>>) src(%dma_wait3A_1179 : memref<4592x128xf32, #tpu.memory_space<hbm>>) dst(%arg22 : memref<256x128xf32, #tpu.memory_space<vmem>>)
    %add3A_1180 = arith.constant 256 : i32
    %add3A_1181 = arith.addi %mul3A_2, %add3A_1180 : i32
    %dma_start3A_1182 = arith.constant 0 : i32
    %dma_start3A_1183 = tpu.memref_slice %arg16[%add3A_1181, %dma_start3A_1182] : memref<16384x128xf32, #tpu.memory_space<hbm>> -> memref<256x128xf32, #tpu.memory_space<hbm>>
    %dma_start3A_1184 = arith.constant 0 : i32
    %dma_start3A_1185 = tpu.memref_slice %arg16[%add3A_1181, %dma_start3A_1184] : memref<16384x128xf32, #tpu.memory_space<hbm>> -> memref<256x128xf32, #tpu.memory_space<hbm>>
    tpu.enqueue_dma source(%arg22 : memref<256x128xf32, #tpu.memory_space<vmem>>) target(%dma_start3A_1185 : memref<256x128xf32, #tpu.memory_space<hbm>>) target_semaphore(%arg28 : memref<!tpu.dma_semaphore, #tpu.memory_space<semaphore_mem>>)
    %dma_wait3A_1186 = arith.constant 0 : i32
    %dma_wait3A_1187 = tpu.memref_slice %arg14[%add3A_1150, %dma_wait3A_1186] : memref<16384x128xf32, #tpu.memory_space<hbm>> -> memref<256x128xf32, #tpu.memory_space<hbm>>
    %dma_wait3A_1188 = arith.constant 0 : i32
    %dma_wait3A_1189 = tpu.memref_slice %arg14[%add3A_1150, %dma_wait3A_1188] : memref<16384x128xf32, #tpu.memory_space<hbm>> -> memref<256x128xf32, #tpu.memory_space<hbm>>
    tpu.wait_dma2 semaphore(%arg29 : memref<!tpu.dma_semaphore, #tpu.memory_space<semaphore_mem>>) src(%arg23 : memref<256x128xf32, #tpu.memory_space<vmem>>) dst(%dma_wait3A_1189 : memref<256x128xf32, #tpu.memory_space<hbm>>)
    %dma_wait3A_1190 = arith.constant 0 : i32
    %dma_wait3A_1191 = tpu.memref_slice %arg15[%add3A_1170, %dma_wait3A_1190] : memref<16384x128xf32, #tpu.memory_space<hbm>> -> memref<256x128xf32, #tpu.memory_space<hbm>>
    %dma_wait3A_1192 = arith.constant 0 : i32
    %dma_wait3A_1193 = tpu.memref_slice %arg15[%add3A_1170, %dma_wait3A_1192] : memref<16384x128xf32, #tpu.memory_space<hbm>> -> memref<256x128xf32, #tpu.memory_space<hbm>>
    tpu.wait_dma2 semaphore(%arg30 : memref<!tpu.dma_semaphore, #tpu.memory_space<semaphore_mem>>) src(%arg24 : memref<256x128xf32, #tpu.memory_space<vmem>>) dst(%dma_wait3A_1193 : memref<256x128xf32, #tpu.memory_space<hbm>>)
    %dma_wait3A_1194 = arith.constant 0 : i32
    %dma_wait3A_1195 = tpu.memref_slice %arg16[%add3A_1181, %dma_wait3A_1194] : memref<16384x128xf32, #tpu.memory_space<hbm>> -> memref<256x128xf32, #tpu.memory_space<hbm>>
    %dma_wait3A_1196 = arith.constant 0 : i32
    %dma_wait3A_1197 = tpu.memref_slice %arg16[%add3A_1181, %dma_wait3A_1196] : memref<16384x128xf32, #tpu.memory_space<hbm>> -> memref<256x128xf32, #tpu.memory_space<hbm>>
    tpu.wait_dma2 semaphore(%arg28 : memref<!tpu.dma_semaphore, #tpu.memory_space<semaphore_mem>>) src(%arg22 : memref<256x128xf32, #tpu.memory_space<vmem>>) dst(%dma_wait3A_1197 : memref<256x128xf32, #tpu.memory_space<hbm>>)
    return
  }
}

module attributes {stable_mosaic.version = 14 : i64} {
  func.func @_tc_concat_body(%arg0: i32, %arg1: memref<1024x128xf32, #tpu.memory_space<vmem>>, %arg2: memref<1024x128xf32, #tpu.memory_space<vmem>>, %arg3: memref<1024x128xf32, #tpu.memory_space<vmem>>, %arg4: memref<1024x128xf32, #tpu.memory_space<vmem>>, %arg5: memref<1024x128xf32, #tpu.memory_space<vmem>>, %arg6: memref<1024x200xf32, #tpu.memory_space<vmem>>, %arg7: memref<1024x300xf32, #tpu.memory_space<vmem>>) attributes {dimension_semantics = [#tpu.dimension_semantics<arbitrary>], iteration_bounds = array<i64: 16>, scalar_prefetch = 0 : i64, scratch_operands = 0 : i64, tpu.core_type = #tpu.core_type<tc>, window_params = [{transform_indices = @transform_0, window_bounds = array<i64: 1024, 128>}, {transform_indices = @transform_1, window_bounds = array<i64: 1024, 128>}, {transform_indices = @transform_2, window_bounds = array<i64: 1024, 128>}, {transform_indices = @transform_3, window_bounds = array<i64: 1024, 128>}, {transform_indices = @transform_4, window_bounds = array<i64: 1024, 128>}, {transform_indices = @transform_5, window_bounds = array<i64: 1024, 200>}, {transform_indices = @transform_6, window_bounds = array<i64: 1024, 300>}]} {
    %get3A = arith.constant 0 : index
    %get3A_0 = arith.constant 0 : index
    %get3A_1 = vector.load %arg1[%get3A, %get3A_0] : memref<1024x128xf32, #tpu.memory_space<vmem>>, vector<1024x100xf32>
    %get3A_2 = arith.constant 0 : index
    %get3A_3 = arith.constant 0 : index
    %get3A_4 = vector.load %arg2[%get3A_2, %get3A_3] : memref<1024x128xf32, #tpu.memory_space<vmem>>, vector<1024x100xf32>
    %concatenate3A = tpu.concatenate %get3A_1, %get3A_4 in 1 : vector<1024x100xf32>, vector<1024x100xf32> -> vector<1024x200xf32>
    %swap3A = arith.constant 0 : index
    %swap3A_5 = arith.constant 0 : index
    %swap3A_6 = vector.load %arg6[%swap3A, %swap3A_5] : memref<1024x200xf32, #tpu.memory_space<vmem>>, vector<1024x200xf32>
    tpu.vector_store %arg6[%swap3A, %swap3A_5], %concatenate3A {strides = array<i32>} : memref<1024x200xf32, #tpu.memory_space<vmem>>, vector<1024x200xf32>,
    %get3A_7 = arith.constant 0 : index
    %get3A_8 = arith.constant 0 : index
    %get3A_9 = vector.load %arg3[%get3A_7, %get3A_8] : memref<1024x128xf32, #tpu.memory_space<vmem>>, vector<1024x100xf32>
    %get3A_10 = arith.constant 0 : index
    %get3A_11 = arith.constant 0 : index
    %get3A_12 = vector.load %arg4[%get3A_10, %get3A_11] : memref<1024x128xf32, #tpu.memory_space<vmem>>, vector<1024x100xf32>
    %get3A_13 = arith.constant 0 : index
    %get3A_14 = arith.constant 0 : index
    %get3A_15 = vector.load %arg5[%get3A_13, %get3A_14] : memref<1024x128xf32, #tpu.memory_space<vmem>>, vector<1024x100xf32>
    %concatenate3A_16 = tpu.concatenate %get3A_9, %get3A_12, %get3A_15 in 1 : vector<1024x100xf32>, vector<1024x100xf32>, vector<1024x100xf32> -> vector<1024x300xf32>
    %swap3A_17 = arith.constant 0 : index
    %swap3A_18 = arith.constant 0 : index
    %swap3A_19 = vector.load %arg7[%swap3A_17, %swap3A_18] : memref<1024x300xf32, #tpu.memory_space<vmem>>, vector<1024x300xf32>
    tpu.vector_store %arg7[%swap3A_17, %swap3A_18], %concatenate3A_16 {strides = array<i32>} : memref<1024x300xf32, #tpu.memory_space<vmem>>, vector<1024x300xf32>,
    return
  }
  func.func @transform_0(%arg0: i32) -> (i32, i32) {
    %c0_i32 = arith.constant 0 : i32
    %c0_i32_0 = arith.constant 0 : i32
    return %arg0, %c0_i32 : i32, i32
  }
  func.func @transform_1(%arg0: i32) -> (i32, i32) {
    %c0_i32 = arith.constant 0 : i32
    %c0_i32_0 = arith.constant 0 : i32
    return %arg0, %c0_i32 : i32, i32
  }
  func.func @transform_2(%arg0: i32) -> (i32, i32) {
    %c0_i32 = arith.constant 0 : i32
    %c0_i32_0 = arith.constant 0 : i32
    return %arg0, %c0_i32 : i32, i32
  }
  func.func @transform_3(%arg0: i32) -> (i32, i32) {
    %c0_i32 = arith.constant 0 : i32
    %c0_i32_0 = arith.constant 0 : i32
    return %arg0, %c0_i32 : i32, i32
  }
  func.func @transform_4(%arg0: i32) -> (i32, i32) {
    %c0_i32 = arith.constant 0 : i32
    %c0_i32_0 = arith.constant 0 : i32
    return %arg0, %c0_i32 : i32, i32
  }
  func.func @transform_5(%arg0: i32) -> (i32, i32) {
    %c0_i32 = arith.constant 0 : i32
    %c0_i32_0 = arith.constant 0 : i32
    return %arg0, %c0_i32 : i32, i32
  }
  func.func @transform_6(%arg0: i32) -> (i32, i32) {
    %c0_i32 = arith.constant 0 : i32
    %c0_i32_0 = arith.constant 0 : i32
    return %arg0, %c0_i32 : i32, i32
  }
}

</mosaic_0001>

<sc_bundles>
// kernel: kernel.4.cloned.1.call-start
scs
__scs_entry_jumppad:
0x0: {  	(pc) =	sbr.rel $0x88, $3  }
0x1: {  	(tag) =	ssettag $0x0;
	lr =	simm.s32 $0x1  }
0x2: {  	[smem:$0x3F97] =	sst lr;
	_ =	strace $0xD0000000  }
0x3: {  	_ = 	snop  }
0x4: {  	_ = 	snop  }
0x5: {  	_ = 	snop  }
0x6: {  	_ = 	snop  }
0x7: {  	_ = 	snop  }
__scs_overlays_trampoline_lowered:
0x8: {  	[smem:$0x3FA6] =	sst s0  }
0x9: {  	[smem:$0x3FA7] =	sst s1  }
0xa: {  	[smem:$0x3FA8] =	sst s2  }
0xb: {  	[smem:$0x3FA9] =	sst s3  }
0xc: {  	[smem:$0x3FAA] =	sst s4  }
0xd: {  	[smem:$0x3FAB] =	sst s5  }
0xe: {  	[smem:$0x3FAC] =	sst s6  }
0xf: {  	[smem:$0x3FAD] =	sst s7  }
0x10: {  	[smem:$0x3FAE] =	sst s8  }
0x11: {  	[smem:$0x3FAF] =	sst s9;
	s0 =	simm.s32 @!p0 $0x0  }
0x12: {  	s1 =	sld [smem:$0x3F95];
	s0 =	simm.s32 @p0 $0x1  }
0x13: {  	[smem:$0x3FB0] =	sst s0;
	s0 =	simm.s32 @!p1 $0x0  }
0x14: {  	s2 =	sld [smem:$0x3F94];
	s0 =	simm.s32 @p1 $0x1  }
0x15: {  	[smem:$0x3FB1] =	sst s0;
	s0 =	simm.s32 @!p2 $0x0  }
0x16: {  	s3 =	sld [smem:$0x3FDB];
	s0 =	simm.s32 @p2 $0x1  }
0x17: {  	s4 =	simm.s32 $0x1BF5;
	[smem:$0x3FB3] =	sst s0  }
0x18: {  	s0 =	sld [smem:$0x3F96];
	_ =	swait.ge [sflag:s4], $0x0  }
0x19: {  	s7 =	sld [smem:$0x3F97]  }
0x1a: {  	s8 =	sadd.s32 $0xFFFFE003, lr  }
0x1b: {  	s9 =	sadd.s32 $0xFFFFFEF7, lr;
	s5 =	simm.s32 $0xFFFFFFFF;
	p2 =	slt.u32 s8, $0xFFFFF086  }
0x1c: {  	p1 =	slt.u32 s9, $0xF7A;
	s5 =	simm.s32 @!p2 $0x0  }
0x1d: {  	s5 =	simm.s32 @p1 $0x1;
	p0 =	seq.s32 s7, s2  }
0x1e: {  	s7 =	smul.u32 @!p0 $0xF7A, s2;
	p2 =	seq.s32 @!p0 s5, $0x0  }
0x1f: {  	s9 =	smul.u32 $0xF7A, s1;
	s8 =	simm.s32 @!p0 $0x1BF5;
	p2 =	por !p2, p0  }
0x20: {  	[sflag:s8] =	ssyncset.s32 @!p0 $0xFFFFF086;
	s6 =	sadd.s32 @!p0 s3, s7;
	s7 =	simm.s32 @!p0 $0x108  }
0x21: {  	s3 =	sadd.s32 s3, s9;
	s6 =	sadd.s32 @!p0 $0x88, s6;
	s7 =	simm.s32 @p2 $0x1082  }
0x22: {  	[simem:s7], [sflag:s8] =	dma.local @!p0 [hbm:s6], $0xF7A  }
0x23: {  	s9 =	sor.u32 $0xD0000000, s2;
	s6 =	simm.s32 $0x108;
	_ =	swait.ge @!p0 [sflag:s8], $0x0  }
0x24: {  	s3 =	sadd.s32 $0x88, s3;
	s6 =	simm.s32 @!p1 $0x1082;
	[sflag:s4] =	ssyncset.s32 $0xFFFFF086  }
0x25: {  	[simem:s6], [sflag:s4] =	dma.local [hbm:s3], $0xF7A  }
0x26: {  	[smem:$0x3F97] =	sst s1;
	(tag) =	ssettag s2;
	_ =	strace s9  }
0x27: {  	s1 =	sld [smem:$0x3FA7]  }
0x28: {  	s2 =	sld [smem:$0x3FA8]  }
0x29: {  	s4 =	sld [smem:$0x3FAA]  }
0x2a: {  	p0 =	seq.s32 s5, $0x0;
	s5 =	sld [smem:$0x3FAB]  }
0x2b: {  	s6 =	sld [smem:$0x3FAC]  }
0x2c: {  	s7 =	sld [smem:$0x3FAD]  }
0x2d: {  	s3 =	simm.s32 $0x108;
	s8 =	sld [smem:$0x3FAE]  }
0x2e: {  	s3 =	simm.s32 @!p0 $0x1082;
	s9 =	sld [smem:$0x3FAF]  }
0x2f: {  	lr =	sadd.s32 s0, s3;
	s0 =	sld [smem:$0x3FA6]  }
0x30: {  	s3 =	sld [smem:$0x3FA9]  }
0x31: {  	[smem:$0x3FB2] =	sst s10  }
0x32: {  	s10 =	sld [smem:$0x3FB0];
	_ =	sdelay $0x3  }
0x33: {  	p0 =	seq.s32 s10, $0x1;
	s10 =	sld [smem:$0x3FB2];
	_ =	sdelay $0x3  }
0x34: {  	[smem:$0x3FB2] =	sst s10  }
0x35: {  	s10 =	sld [smem:$0x3FB1];
	_ =	sdelay $0x3  }
0x36: {  	p1 =	seq.s32 s10, $0x1;
	s10 =	sld [smem:$0x3FB2];
	_ =	sdelay $0x3  }
0x37: {  	[smem:$0x3FB2] =	sst s10  }
0x38: {  	s10 =	sld [smem:$0x3FB3]  }
0x39: {  	_ = 	snop;
	(pc) =	sbr.ind lr, $3  }
0x3a: {  	_ = 	snop  }
0x3b: {  	_ = 	snop  }
0x3c: {  	p2 =	seq.s32 s10, $0x1;
	s10 =	sld [smem:$0x3FB2]  }
0x3d: {  	_ =	shalt  }
0x3e: {  	_ =	shalt  }
0x3f: {  	_ =	shalt  }
0x40: {  	_ =	shalt  }
0x41: {  	_ =	shalt  }
0x42: {  	_ =	shalt  }
0x43: {  	_ =	shalt  }
0x44: {  	_ =	shalt  }
0x45: {  	_ =	shalt  }
0x46: {  	_ =	shalt  }
0x47: {  	_ =	shalt  }
0x48: {  	_ =	shalt  }
0x49: {  	_ =	shalt  }
0x4a: {  	_ =	shalt  }
0x4b: {  	_ =	shalt  }
0x4c: {  	_ =	shalt  }
0x4d: {  	_ =	shalt  }
0x4e: {  	_ =	shalt  }
0x4f: {  	_ =	shalt  }
0x50: {  	_ =	shalt  }
0x51: {  	_ =	shalt  }
0x52: {  	_ =	shalt  }
0x53: {  	_ =	shalt  }
0x54: {  	_ =	shalt  }
0x55: {  	_ =	shalt  }
0x56: {  	_ =	shalt  }
0x57: {  	_ =	shalt  }
0x58: {  	_ =	shalt  }
0x59: {  	_ =	shalt  }
0x5a: {  	_ =	shalt  }
0x5b: {  	_ =	shalt  }
0x5c: {  	_ =	shalt  }
0x5d: {  	_ =	shalt  }
0x5e: {  	_ =	shalt  }
0x5f: {  	_ =	shalt  }
0x60: {  	_ =	shalt  }
0x61: {  	_ =	shalt  }
0x62: {  	_ =	shalt  }
0x63: {  	_ =	shalt  }
0x64: {  	_ =	shalt  }
0x65: {  	_ =	shalt  }
0x66: {  	_ =	shalt  }
0x67: {  	_ =	shalt  }
0x68: {  	_ =	shalt  }
0x69: {  	_ =	shalt  }
0x6a: {  	_ =	shalt  }
0x6b: {  	_ =	shalt  }
0x6c: {  	_ =	shalt  }
0x6d: {  	_ =	shalt  }
0x6e: {  	_ =	shalt  }
0x6f: {  	_ =	shalt  }
0x70: {  	_ =	shalt  }
0x71: {  	_ =	shalt  }
0x72: {  	_ =	shalt  }
0x73: {  	_ =	shalt  }
0x74: {  	_ =	shalt  }
0x75: {  	_ =	shalt  }
0x76: {  	_ =	shalt  }
0x77: {  	_ =	shalt  }
0x78: {  	_ =	shalt  }
0x79: {  	_ =	shalt  }
0x7a: {  	_ =	shalt  }
0x7b: {  	_ =	shalt  }
0x7c: {  	_ =	shalt  }
0x7d: {  	_ =	shalt  }
0x7e: {  	_ =	shalt  }
0x7f: {  	_ =	shalt  }
0x80: {  	_ =	shalt  }
0x81: {  	_ =	shalt  }
0x82: {  	_ =	shalt  }
0x83: {  	_ =	shalt  }
0x84: {  	_ =	shalt  }
0x85: {  	_ =	shalt  }
0x86: {  	_ =	shalt  }
0x87: {  	_ =	shalt  }
.Lfunc_end0:
.L_simem_size_0:
called_computation_lowered:
.L_overlay_start_0:
0x88: {  	s2 =	sld [smem:$0x3FD9]  }
0x89: {  	s3 =	sld [smem:$0x3FFE];
	_ =	sdelay $0x1  }
0x8a: {  	s1 =	srdreg.scid  }
0x8b: {  	s0 =	sand.u32 $0x1, s1  }
0x8c: {  	s14 =	sshll.u32 s0, $0xA;
	s2 =	sadd.s32 s3, s2  }
0x8d: {  	s2 =	sadd.s32 s2, s14  }
0x8e: {  	[smem:$0x3FBE] =	sst s2  }
0x8f: {  	_ = 	snop  }
0x90: {  	s2 =	sld [smem:$0x3FC9]  }
0x91: {  	s15 =	sld [smem:$0x3FC8]  }
0x92: {  	s4 =	sld [smem:$0x3FD0]  }
0x93: {  	s5 =	sld [smem:$0x3FC7]  }
0x94: {  	s6 =	sld [smem:$0x3FC6]  }
0x95: {  	s8 =	simm.s32 $0xA;
	s9 =	simm.s32 $0x10;
	s7 =	sld [smem:$0x3FC5]  }
0x96: {  	[smem:s9], [sflag:s8] =	dma.local [hbm:s4], $0x1  }
0x97: {  	_ =	swait.eq [sflag:s8], $0x1  }
0x98: {  	[sflag:s8] =	ssyncset.done $0x0  }
0x99: {  	s16 =	sld [smem:$0x10];
	[sflag:s8] =	ssyncadd.s32 $0xFFFFFFFF  }
0x9a: {  	s17 =	sld [smem:$0x11];
	(tm) =	ssettm $0x1  }
0x9b: {  	s18 =	sld [smem:$0x3FFB];
	_ =	sdelay $0x3  }
0x9c: {  	_ =	strace s18  }
0x9d: {  	s9 =	sld [smem:$0x3FFC];
	_ =	sdelay $0x3  }
0x9e: {  	_ =	strace s9  }
0x9f: {  	s9 =	sld [smem:$0x3FFD];
	_ =	sdelay $0x3  }
0xa0: {  	_ =	strace s9  }
0xa1: {  	_ =	strace $0x8FFFFFFF  }
0xa2: {  	s19 =	sld [smem:$0x3FDB];
	_ =	sdelay $0x1  }
0xa3: {  	s10 =	simm.s32 $_scs_section_size  }
0xa4: {  	s11 =	simm.s32 $_size__tile_overlayer_lowered;
	s12 =	simm.s32 $_tile_overlayer_lowered  }
0xa5: {  	s22 =	simm.s32 $0x1BFF;
	s21 =	sshll.u32 s12, $0x1;
	s9 =	sadd.s32 s10, s19  }
0xa6: {  	s13 =	simm.s32 $0x0;
	s20 =	sshll.u32 s11, $0x1;
	s11 =	sadd.s32 s21, s9  }
0xa7: {  	[timem:s13], [sflag:s22] =	dma.local [hbm:s11], s20  }
0xa8: {  	_ =	swait.ge [sflag:s22], s20  }
0xa9: {  	s10 =	ssub.s32 $0x0, s20;
	[sflag:s22] =	ssyncset.done $0x0  }
0xaa: {  	[sflag:s22] =	ssyncadd.s32 s10;
	_ =	sdelay $0x1  }
0xab: {  	s23 =	simm.s32 $0x1B8B  }
0xac: {  	_ =	swait.ge [sflag:s23], $0x1  }
0xad: {  	[sflag:s23] =	ssyncset.done $0x0  }
0xae: {  	s25 =	simm.s32 $0x1B8E;
	s24 =	sld [smem:$0x3FFE];
	[sflag:s23] =	ssyncadd.s32 $0xFFFFFFFF  }
0xaf: {  	s26 =	simm.s32 $execute0_lowered;
	[smem:$0x3FD2] =	sst s25  }
0xb0: {  	s11 =	sshll.u32 s26, $0x1;
	_ =	strace $0x80000046;
	[dreg:$0x1] =	wrdreg $0xFFFFFFFF  }
0xb1: {  	s28 =	simm.s32 $_size_execute0_lowered;
	s9 =	sadd.s32 s9, s11;
	[dreg:$0x0] =	wrdreg $0x0  }
0xb2: {  	s11 =	sshll.u32 s28, $0x1;
	[dreg:$0x2] =	wrdreg s9  }
0xb3: {  	[dreg:$0x3] =	wrdreg s11  }
0xb4: {  	[dreg:$0x4] =	wrdreg $0xC0  }
0xb5: {  	_ =	task [dreg:s13], $0x5FFFF  }
0xb6: {  	[dreg:$0x1] =	wrdreg $0xFFFFFFFF  }
0xb7: {  	[dreg:$0x0] =	wrdreg $0x60  }
0xb8: {  	[dreg:$0x2] =	wrdreg s6  }
0xb9: {  	[dreg:$0x3] =	wrdreg s7  }
0xba: {  	[dreg:$0x4] =	wrdreg s2  }
0xbb: {  	[dreg:$0x5] =	wrdreg s15  }
0xbc: {  	[dreg:$0x6] =	wrdreg s5  }
0xbd: {  	[dreg:$0x7] =	wrdreg s24  }
0xbe: {  	[dreg:$0x8] =	wrdreg s16  }
0xbf: {  	[dreg:$0x9] =	wrdreg s17  }
0xc0: {  	[dreg:$0xa] =	wrdreg $0x9  }
0xc1: {  	_ =	task.clear_ibuf [dreg:s13], $0xBFFFF;
	_ =	strace $0x90000046  }
0xc2: {  	s29 =	simm.s32 $0x9;
	_ =	strace $0x80000048  }
0xc3: {  	_ =	swait.ge [sflag:s29], $0x1  }
0xc4: {  	[sflag:s29] =	ssyncadd.s32 $0xFFFFFFFF  }
0xc5: {  	_ =	strace $0x90000048  }
0xc6: {  	_ =	sfence  }
0xc7: {  	s30 =	sld [smem:$0x0];
	_ =	sdelay $0x2  }
0xc8: {  	s31 =	sshll.u32 s1, $0xD;
	s1 =	sshrl.u32 s1, $0x2  }
0xc9: {  	s3 =	sand.u32 $0x4000, s31;
	s1 =	sadd.s32 s1, s30  }
0xca: {  	s0 =	sor.u32 s3, s0;
	s1 =	sshll.u32 s1, $0x11  }
0xcb: {  	s0 =	sor.u32 s1, s0  }
0xcc: {  	s0 =	sadd.s32 $0x8F2B, s0  }
0xcd: {  	[sflag:s0] =	ssyncadd.remote.s32 $0x1  }
0xce: {  	_ =	sfence.sel $0xFFFF  }
0xcf: {  	[dreg:$0x0] =	wrdreg $0xFFFFFFFF;
	(pc) =	sbr.abs _section_cstart, $3  }
0xd0: {  	[dreg:$0x1] =	wrdreg $0xFFFFFFFF  }
0xd1: {  	_ =	task.clear_ibuf [dreg:s13], $0x2FFFF;
	_ =	strace $0x9FFFFFFF  }
0xd2: {  	(tm) =	ssettm $0x7FFFFFFF  }
0xd3: {  	_ =	shalt  }
tec
execute0_lowered:
.L_overlay_start_1:
0x0: {  	(tag) =	ssettag $0x1  }
0x1: {  	s0 =	rddreg [dreg:$0x0]  }
0x2: {  	s8 =	rddreg [dreg:$0x1]  }
0x3: {  	s9 =	rddreg [dreg:$0x2]  }
0x4: {  	s10 =	rddreg [dreg:$0x3]  }
0x5: {  	s11 =	rddreg [dreg:$0x4]  }
0x6: {  	s12 =	rddreg [dreg:$0x5]  }
0x7: {  	s13 =	rddreg [dreg:$0x6]  }
0x8: {  	s14 =	rddreg [dreg:$0x7];
	s2 =	simm.s32 $0x0  }
0x9: {  	s4 =	srdreg.scid;
	s1 =	stileid.u32;
	s28 =	simm.s32 $0x6  }
0xa: {  	[smem:$0x7FF] =	sst s2;
	s3 =	sadd.s32 $0x1EE00, s12;
	s15 =	sand.u32 $0x1, s4  }
0xb: {  	s6 =	sshll.u32 s1, $0x1;
	s4 =	sadd.s32 $0x16E00, s12;
	s5 =	sadd.s32 $0x1000, s12  }
0xc: {  	s7 =	sadd.s32 $0x1E00, s12;
	s18 =	sadd.s32 $0x26E00, s12;
	s16 =	sor.u32 s15, s6  }
0xd: {  	s19 =	sadd.s32 $0x66E00, s12;
	_ =	strace $0x80000047;
	s17 =	sshll.u32 s16, $0x6  }
0xe: {  	s6 =	sadd.s32 $0x13E00, s12;
	s12 =	sadd.s32 $0xA6E00, s12;
	s0 =	sadd.s32 s0, s17  }
0xf: {  	s23 =	ssub.s32 $0x2, s15;
	s22 =	sadd.s32 s8, s17;
	[dreg:$0x9] =	wrdreg s0  }
0x10: {  	s25 =	sshrl.u32 s23, $0x1;
	s24 =	sadd.s32 s9, s17;
	[dreg:$0xa] =	wrdreg s22  }
0x11: {  	s1 =	sshll.u32 s16, $0xD;
	s26 =	sadd.s32 s10, s17;
	[dreg:$0xb] =	wrdreg s24  }
0x12: {  	s30 =	smul.u32 $0x7, s16;
	s29 =	sadd.s32 s11, s17;
	[dreg:$0xc] =	wrdreg s26  }
0x13: {  	s31 =	smul.u32 $0x18, s16;
	s9 =	sadd.s32 s13, s1;
	[dreg:$0xd] =	wrdreg s29  }
0x14: {  	s15 =	ssub.s32 s23, s25;
	s17 =	sadd.s32 s14, s1;
	[dreg:$0xe] =	wrdreg s9  }
0x15: {  	s11 =	sshll.u32 s16, $0x8;
	s20 =	sadd.s32 s18, s1;
	[dreg:$0xf] =	wrdreg s17  }
0x16: {  	s21 =	sadd.s32 s19, s1;
	s23 =	sor.u32 $0x1000, s1;
	[dreg:$0x10] =	wrdreg s20  }
0x17: {  	[dreg:$0x11] =	wrdreg s21;
	s22 =	sadd.s32 s12, s1;
	s24 =	sand.u32 $0xF, s16  }
0x18: {  	s25 =	sadd.s32 s13, s23;
	s26 =	sand.u32 $0x700, s11;
	s8 =	sadd.s32 s14, s23  }
0x19: {  	s9 =	sadd.s32 s18, s23;
	s10 =	sadd.s32 s19, s23;
	s11 =	sadd.s32 s12, s23  }
0x1a: {  	s12 =	smax.u32 s15, $0x1;
	s13 =	simm.s32 $0x200;
	s14 =	simm.s32 $0x400  }
0x1b: {  	s15 =	simm.s32 $0x600;
	s16 =	simm.s32 $0x800;
	s17 =	simm.s32 $0x7  }
0x1c: {  	s18 =	simm.s32 $0x100;
	s19 =	simm.s32 $0xA00;
	s20 =	simm.s32 $0x8A00  }
0x1d: {  	s21 =	simm.s32 $0x1;
	s23 =	simm.s32 $0x2;
	v1 =	vmov s30;
	s30 =	simm.s32 $0x500  }
0x1e: {  	v2 =	vmov s31;
	s31 =	simm.s32 $0x700;
	[dreg:$0x12] =	wrdreg s22;
	s29 =	smul.u32 $0x11F, s24  }
0x1f: {  	s0 =	simm.s32 $0x900;
	[dreg:$0x13] =	wrdreg s25;
	s22 =	simm.s32 $0x10A00  }
0x20: {  	s24 =	simm.s32 $0x4;
	s25 =	simm.s32 $0x3;
	v0 =	vmov s26;
	s26 =	simm.s32 $0x5;
	v3 =	vmov s29  }
.LBB2_1:
0x21: {  	s1 =	rddreg [dreg:$0x9]  }
0x22: {  	[tilespmem:s2], [sflag:$0x7] =	stream.linear.gather [hbm4b:s1+s2], $0x200, $0x38;
	[tilespmem:$0x18A00] =	vst v63  }
0x23: {  	s29 =	rddreg [dreg:$0xa]  }
0x24: {  	[tilespmem:s13], [sflag:$0x7] =	stream.linear.gather [hbm4b:s29+s2], $0x200, $0x38;
	[tilespmem:$0x18A00] =	vst v63  }
0x25: {  	s1 =	rddreg [dreg:$0xb]  }
0x26: {  	[tilespmem:s14], [sflag:$0x7] =	stream.linear.gather [hbm4b:s1+s2], $0x200, $0x38;
	[tilespmem:$0x18A00] =	vst v63  }
0x27: {  	s29 =	rddreg [dreg:$0xc]  }
0x28: {  	[tilespmem:s15], [sflag:$0x7] =	stream.linear.gather [hbm4b:s29+s2], $0x200, $0x38;
	[tilespmem:$0x18A00] =	vst v63  }
0x29: {  	s1 =	rddreg [dreg:$0xd]  }
0x2a: {  	[tilespmem:s16], [sflag:$0x7] =	stream.linear.gather [hbm4b:s1+s2], $0x200, $0x38;
	[tilespmem:$0x18A00] =	vst v63  }
0x2b: {  	_ =	swait.ge [sflag:s17], $0x200  }
0x2c: {  	[sflag:s17] =	ssyncset.done $0x0  }
0x2d: {  	[sflag:s17] =	ssyncadd.s32 $0xFFFFFE00  }
0x2e: {  	_ =	swait.ge [sflag:s17], $0x200  }
0x2f: {  	[sflag:s17] =	ssyncset.done $0x0  }
0x30: {  	[sflag:s17] =	ssyncadd.s32 $0xFFFFFE00  }
0x31: {  	_ =	swait.ge [sflag:s17], $0x200  }
0x32: {  	[sflag:s17] =	ssyncset.done $0x0  }
0x33: {  	[sflag:s17] =	ssyncadd.s32 $0xFFFFFE00  }
0x34: {  	_ =	swait.ge [sflag:s17], $0x200  }
0x35: {  	[sflag:s17] =	ssyncset.done $0x0  }
0x36: {  	[sflag:s17] =	ssyncadd.s32 $0xFFFFFE00  }
0x37: {  	_ =	swait.ge [sflag:s17], $0x200  }
0x38: {  	[sflag:s17] =	ssyncset.done $0x0  }
0x39: {  	[sflag:s17] =	ssyncadd.s32 $0xFFFFFE00  }
0x3a: {  	v4 =	vld [tilespmem:$0x0]  }
0x3b: {  	v5 =	vld [tilespmem:$0x10]  }
0x3c: {  	v6 =	vld [tilespmem:$0x20]  }
0x3d: {  	v7 =	vld [tilespmem:$0x30]  }
0x3e: {  	v8 =	vld [tilespmem:$0x40]  }
0x3f: {  	v9 =	vld [tilespmem:$0x50];
	v4 =	vadd.s32 v0, v4  }
0x40: {  	[tilespmem:$0x0] =	vst v4;
	v4 =	vadd.s32 v0, v5;
	v5 =	vld [tilespmem:$0x60]  }
0x41: {  	v45 =	vld [tilespmem:$0x70];
	[tilespmem:$0x10] =	vst v4;
	v4 =	vadd.s32 v0, v6  }
0x42: {  	v46 =	vld [tilespmem:$0x80];
	[tilespmem:$0x20] =	vst v4;
	v4 =	vadd.s32 v0, v7  }
0x43: {  	v47 =	vld [tilespmem:$0x90];
	[tilespmem:$0x30] =	vst v4;
	v4 =	vadd.s32 v0, v8  }
0x44: {  	v48 =	vld [tilespmem:$0xA0];
	[tilespmem:$0x40] =	vst v4;
	v4 =	vadd.s32 v0, v9  }
0x45: {  	[tilespmem:$0x50] =	vst v4;
	v4 =	vadd.s32 v0, v5;
	v5 =	vld [tilespmem:$0xB0]  }
0x46: {  	v49 =	vld [tilespmem:$0xC0];
	[tilespmem:$0x60] =	vst v4;
	v4 =	vadd.s32 v0, v45  }
0x47: {  	v50 =	vld [tilespmem:$0xD0];
	[tilespmem:$0x70] =	vst v4;
	v4 =	vadd.s32 v0, v46  }
0x48: {  	v51 =	vld [tilespmem:$0xE0];
	[tilespmem:$0x80] =	vst v4;
	v4 =	vadd.s32 v0, v47  }
0x49: {  	v52 =	vld [tilespmem:$0xF0];
	[tilespmem:$0x90] =	vst v4;
	v4 =	vadd.s32 v0, v48  }
0x4a: {  	[tilespmem:$0xA0] =	vst v4;
	v4 =	vadd.s32 v0, v5;
	v5 =	vld [tilespmem:$0x100]  }
0x4b: {  	v53 =	vld [tilespmem:$0x110];
	[tilespmem:$0xB0] =	vst v4;
	v4 =	vadd.s32 v0, v49  }
0x4c: {  	v54 =	vld [tilespmem:$0x120];
	[tilespmem:$0xC0] =	vst v4;
	v4 =	vadd.s32 v0, v50  }
0x4d: {  	v55 =	vld [tilespmem:$0x130];
	[tilespmem:$0xD0] =	vst v4;
	v4 =	vadd.s32 v0, v51  }
0x4e: {  	v56 =	vld [tilespmem:$0x140];
	[tilespmem:$0xE0] =	vst v4;
	v4 =	vadd.s32 v0, v52  }
0x4f: {  	[tilespmem:$0xF0] =	vst v4;
	v4 =	vadd.s32 v0, v5;
	v5 =	vld [tilespmem:$0x150]  }
0x50: {  	v57 =	vld [tilespmem:$0x160];
	[tilespmem:$0x100] =	vst v4;
	v4 =	vadd.s32 v0, v53  }
0x51: {  	v58 =	vld [tilespmem:$0x170];
	[tilespmem:$0x110] =	vst v4;
	v4 =	vadd.s32 v0, v54  }
0x52: {  	v59 =	vld [tilespmem:$0x180];
	[tilespmem:$0x120] =	vst v4;
	v4 =	vadd.s32 v0, v55  }
0x53: {  	v60 =	vld [tilespmem:$0x190];
	[tilespmem:$0x130] =	vst v4;
	v4 =	vadd.s32 v0, v56  }
0x54: {  	[tilespmem:$0x140] =	vst v4;
	v4 =	vadd.s32 v0, v5;
	v5 =	vld [tilespmem:$0x1A0]  }
0x55: {  	v61 =	vld [tilespmem:$0x1B0];
	[tilespmem:$0x150] =	vst v4;
	v4 =	vadd.s32 v0, v57  }
0x56: {  	v62 =	vld [tilespmem:$0x1C0];
	[tilespmem:$0x160] =	vst v4;
	v4 =	vadd.s32 v0, v58  }
0x57: {  	v63 =	vld [tilespmem:$0x1D0];
	[tilespmem:$0x170] =	vst v4;
	v4 =	vadd.s32 v0, v59  }
0x58: {  	v12 =	vld [tilespmem:$0x1E0];
	[tilespmem:$0x180] =	vst v4;
	v4 =	vadd.s32 v0, v60  }
0x59: {  	[tilespmem:$0x190] =	vst v4;
	v4 =	vadd.s32 v0, v5;
	v5 =	vld [tilespmem:$0x1F0]  }
0x5a: {  	v13 =	vld [tilespmem:$0x200];
	[tilespmem:$0x1A0] =	vst v4;
	v4 =	vadd.s32 v0, v61  }
0x5b: {  	v14 =	vld [tilespmem:$0x210];
	[tilespmem:$0x1B0] =	vst v4;
	v4 =	vadd.s32 v0, v62  }
0x5c: {  	v15 =	vld [tilespmem:$0x220];
	[tilespmem:$0x1C0] =	vst v4;
	v4 =	vadd.s32 v0, v63  }
0x5d: {  	v16 =	vld [tilespmem:$0x230];
	[tilespmem:$0x1D0] =	vst v4;
	v4 =	vadd.s32 v0, v12  }
0x5e: {  	[tilespmem:$0x1E0] =	vst v4;
	v4 =	vadd.s32 v0, v5;
	v5 =	vld [tilespmem:$0x240]  }
0x5f: {  	v17 =	vld [tilespmem:$0x250];
	[tilespmem:$0x1F0] =	vst v4;
	v4 =	vadd.s32 v0, v13  }
0x60: {  	v18 =	vld [tilespmem:$0x260];
	[tilespmem:$0x200] =	vst v4;
	v4 =	vadd.s32 v0, v14  }
0x61: {  	v19 =	vld [tilespmem:$0x270];
	[tilespmem:$0x210] =	vst v4;
	v4 =	vadd.s32 v0, v15  }
0x62: {  	v20 =	vld [tilespmem:$0x280];
	[tilespmem:$0x220] =	vst v4;
	v4 =	vadd.s32 v0, v16  }
0x63: {  	[tilespmem:$0x230] =	vst v4;
	v4 =	vadd.s32 v0, v5;
	v5 =	vld [tilespmem:$0x290]  }
0x64: {  	v21 =	vld [tilespmem:$0x2A0];
	[tilespmem:$0x240] =	vst v4;
	v4 =	vadd.s32 v0, v17  }
0x65: {  	v22 =	vld [tilespmem:$0x2B0];
	[tilespmem:$0x250] =	vst v4;
	v4 =	vadd.s32 v0, v18  }
0x66: {  	v23 =	vld [tilespmem:$0x2C0];
	[tilespmem:$0x260] =	vst v4;
	v4 =	vadd.s32 v0, v19  }
0x67: {  	v24 =	vld [tilespmem:$0x2D0];
	[tilespmem:$0x270] =	vst v4;
	v4 =	vadd.s32 v0, v20  }
0x68: {  	[tilespmem:$0x280] =	vst v4;
	v4 =	vadd.s32 v0, v5;
	v5 =	vld [tilespmem:$0x2E0]  }
0x69: {  	v25 =	vld [tilespmem:$0x2F0];
	[tilespmem:$0x290] =	vst v4;
	v4 =	vadd.s32 v0, v21  }
0x6a: {  	v26 =	vld [tilespmem:$0x300];
	[tilespmem:$0x2A0] =	vst v4;
	v4 =	vadd.s32 v0, v22  }
0x6b: {  	v27 =	vld [tilespmem:$0x310];
	[tilespmem:$0x2B0] =	vst v4;
	v4 =	vadd.s32 v0, v23  }
0x6c: {  	v28 =	vld [tilespmem:$0x320];
	[tilespmem:$0x2C0] =	vst v4;
	v4 =	vadd.s32 v0, v24  }
0x6d: {  	[tilespmem:$0x2D0] =	vst v4;
	v4 =	vadd.s32 v0, v5;
	v5 =	vld [tilespmem:$0x330]  }
0x6e: {  	v29 =	vld [tilespmem:$0x340];
	[tilespmem:$0x2E0] =	vst v4;
	v4 =	vadd.s32 v0, v25  }
0x6f: {  	v30 =	vld [tilespmem:$0x350];
	[tilespmem:$0x2F0] =	vst v4;
	v4 =	vadd.s32 v0, v26  }
0x70: {  	v31 =	vld [tilespmem:$0x360];
	[tilespmem:$0x300] =	vst v4;
	v4 =	vadd.s32 v0, v27  }
0x71: {  	v32 =	vld [tilespmem:$0x370];
	[tilespmem:$0x310] =	vst v4;
	v4 =	vadd.s32 v0, v28  }
0x72: {  	[tilespmem:$0x320] =	vst v4;
	v4 =	vadd.s32 v0, v5;
	v5 =	vld [tilespmem:$0x380]  }
0x73: {  	v33 =	vld [tilespmem:$0x390];
	[tilespmem:$0x330] =	vst v4;
	v4 =	vadd.s32 v0, v29  }
0x74: {  	v34 =	vld [tilespmem:$0x3A0];
	[tilespmem:$0x340] =	vst v4;
	v4 =	vadd.s32 v0, v30  }
0x75: {  	v35 =	vld [tilespmem:$0x3B0];
	[tilespmem:$0x350] =	vst v4;
	v4 =	vadd.s32 v0, v31  }
0x76: {  	v36 =	vld [tilespmem:$0x3C0];
	[tilespmem:$0x360] =	vst v4;
	v4 =	vadd.s32 v0, v32  }
0x77: {  	[tilespmem:$0x370] =	vst v4;
	v4 =	vadd.s32 v0, v5;
	v5 =	vld [tilespmem:$0x3D0]  }
0x78: {  	v37 =	vld [tilespmem:$0x3E0];
	[tilespmem:$0x380] =	vst v4;
	v4 =	vadd.s32 v0, v33  }
0x79: {  	v38 =	vld [tilespmem:$0x3F0];
	[tilespmem:$0x390] =	vst v4;
	v4 =	vadd.s32 v0, v34  }
0x7a: {  	v39 =	vld [tilespmem:$0x400];
	[tilespmem:$0x3A0] =	vst v4;
	v4 =	vadd.s32 v0, v35  }
0x7b: {  	v40 =	vld [tilespmem:$0x410];
	[tilespmem:$0x3B0] =	vst v4;
	v4 =	vadd.s32 v0, v36  }
0x7c: {  	[tilespmem:$0x3C0] =	vst v4;
	v4 =	vadd.s32 v0, v5;
	v5 =	vld [tilespmem:$0x420]  }
0x7d: {  	v41 =	vld [tilespmem:$0x430];
	[tilespmem:$0x3D0] =	vst v4;
	v4 =	vadd.s32 v0, v37  }
0x7e: {  	v42 =	vld [tilespmem:$0x440];
	[tilespmem:$0x3E0] =	vst v4;
	v4 =	vadd.s32 v0, v38  }
0x7f: {  	v43 =	vld [tilespmem:$0x450];
	[tilespmem:$0x3F0] =	vst v4;
	v4 =	vadd.s32 v1, v39  }
0x80: {  	v44 =	vld [tilespmem:$0x460];
	[tilespmem:$0x400] =	vst v4;
	v4 =	vadd.s32 v1, v40  }
0x81: {  	[tilespmem:$0x410] =	vst v4;
	v4 =	vadd.s32 v1, v5;
	v5 =	vld [tilespmem:$0x470]  }
0x82: {  	v45 =	vld [tilespmem:$0x480];
	[tilespmem:$0x420] =	vst v4;
	v4 =	vadd.s32 v1, v41  }
0x83: {  	v46 =	vld [tilespmem:$0x490];
	[tilespmem:$0x430] =	vst v4;
	v4 =	vadd.s32 v1, v42  }
0x84: {  	v47 =	vld [tilespmem:$0x4A0];
	[tilespmem:$0x440] =	vst v4;
	v4 =	vadd.s32 v1, v43  }
0x85: {  	v48 =	vld [tilespmem:$0x4B0];
	[tilespmem:$0x450] =	vst v4;
	v4 =	vadd.s32 v1, v44  }
0x86: {  	[tilespmem:$0x460] =	vst v4;
	v4 =	vadd.s32 v1, v5;
	v5 =	vld [tilespmem:$0x4C0]  }
0x87: {  	v49 =	vld [tilespmem:$0x4D0];
	[tilespmem:$0x470] =	vst v4;
	v4 =	vadd.s32 v1, v45  }
0x88: {  	v50 =	vld [tilespmem:$0x4E0];
	[tilespmem:$0x480] =	vst v4;
	v4 =	vadd.s32 v1, v46  }
0x89: {  	v51 =	vld [tilespmem:$0x4F0];
	[tilespmem:$0x490] =	vst v4;
	v4 =	vadd.s32 v1, v47  }
0x8a: {  	v52 =	vld [tilespmem:$0x500];
	[tilespmem:$0x4A0] =	vst v4;
	v4 =	vadd.s32 v1, v48  }
0x8b: {  	[tilespmem:$0x4B0] =	vst v4;
	v4 =	vadd.s32 v1, v5;
	v5 =	vld [tilespmem:$0x510]  }
0x8c: {  	v53 =	vld [tilespmem:$0x520];
	[tilespmem:$0x4C0] =	vst v4;
	v4 =	vadd.s32 v1, v49  }
0x8d: {  	v54 =	vld [tilespmem:$0x530];
	[tilespmem:$0x4D0] =	vst v4;
	v4 =	vadd.s32 v1, v50  }
0x8e: {  	v55 =	vld [tilespmem:$0x540];
	[tilespmem:$0x4E0] =	vst v4;
	v4 =	vadd.s32 v1, v51  }
0x8f: {  	v56 =	vld [tilespmem:$0x550];
	[tilespmem:$0x4F0] =	vst v4;
	v4 =	vadd.s32 v1, v52  }
0x90: {  	[tilespmem:$0x500] =	vst v4;
	v4 =	vadd.s32 v1, v5;
	v5 =	vld [tilespmem:$0x560]  }
0x91: {  	v57 =	vld [tilespmem:$0x570];
	[tilespmem:$0x510] =	vst v4;
	v4 =	vadd.s32 v1, v53  }
0x92: {  	v58 =	vld [tilespmem:$0x580];
	[tilespmem:$0x520] =	vst v4;
	v4 =	vadd.s32 v1, v54  }
0x93: {  	v59 =	vld [tilespmem:$0x590];
	[tilespmem:$0x530] =	vst v4;
	v4 =	vadd.s32 v1, v55  }
0x94: {  	v60 =	vld [tilespmem:$0x5A0];
	[tilespmem:$0x540] =	vst v4;
	v4 =	vadd.s32 v1, v56  }
0x95: {  	[tilespmem:$0x550] =	vst v4;
	v4 =	vadd.s32 v1, v5;
	v5 =	vld [tilespmem:$0x5B0]  }
0x96: {  	v61 =	vld [tilespmem:$0x5C0];
	[tilespmem:$0x560] =	vst v4;
	v4 =	vadd.s32 v1, v57  }
0x97: {  	v62 =	vld [tilespmem:$0x5D0];
	[tilespmem:$0x570] =	vst v4;
	v4 =	vadd.s32 v1, v58  }
0x98: {  	v63 =	vld [tilespmem:$0x5E0];
	[tilespmem:$0x580] =	vst v4;
	v4 =	vadd.s32 v1, v59  }
0x99: {  	v12 =	vld [tilespmem:$0x5F0];
	[tilespmem:$0x590] =	vst v4;
	v4 =	vadd.s32 v1, v60  }
0x9a: {  	[tilespmem:$0x5A0] =	vst v4;
	v4 =	vadd.s32 v1, v5;
	v5 =	vld [tilespmem:$0x600]  }
0x9b: {  	v13 =	vld [tilespmem:$0x610];
	[tilespmem:$0x5B0] =	vst v4;
	v4 =	vadd.s32 v1, v61  }
0x9c: {  	v14 =	vld [tilespmem:$0x620];
	[tilespmem:$0x5C0] =	vst v4;
	v4 =	vadd.s32 v1, v62  }
0x9d: {  	v15 =	vld [tilespmem:$0x630];
	[tilespmem:$0x5D0] =	vst v4;
	v4 =	vadd.s32 v1, v63  }
0x9e: {  	v16 =	vld [tilespmem:$0x640];
	[tilespmem:$0x5E0] =	vst v4;
	v4 =	vadd.s32 v1, v12  }
0x9f: {  	[tilespmem:$0x5F0] =	vst v4;
	v4 =	vadd.s32 v2, v5;
	v5 =	vld [tilespmem:$0x650]  }
0xa0: {  	v17 =	vld [tilespmem:$0x660];
	[tilespmem:$0x600] =	vst v4;
	v4 =	vadd.s32 v2, v13  }
0xa1: {  	v18 =	vld [tilespmem:$0x670];
	[tilespmem:$0x610] =	vst v4;
	v4 =	vadd.s32 v2, v14  }
0xa2: {  	v19 =	vld [tilespmem:$0x680];
	[tilespmem:$0x620] =	vst v4;
	v4 =	vadd.s32 v2, v15  }
0xa3: {  	v20 =	vld [tilespmem:$0x690];
	[tilespmem:$0x630] =	vst v4;
	v4 =	vadd.s32 v2, v16  }
0xa4: {  	[tilespmem:$0x640] =	vst v4;
	v4 =	vadd.s32 v2, v5;
	v5 =	vld [tilespmem:$0x6A0]  }
0xa5: {  	v21 =	vld [tilespmem:$0x6B0];
	[tilespmem:$0x650] =	vst v4;
	v4 =	vadd.s32 v2, v17  }
0xa6: {  	v22 =	vld [tilespmem:$0x6C0];
	[tilespmem:$0x660] =	vst v4;
	v4 =	vadd.s32 v2, v18  }
0xa7: {  	v23 =	vld [tilespmem:$0x6D0];
	[tilespmem:$0x670] =	vst v4;
	v4 =	vadd.s32 v2, v19  }
0xa8: {  	v24 =	vld [tilespmem:$0x6E0];
	[tilespmem:$0x680] =	vst v4;
	v4 =	vadd.s32 v2, v20  }
0xa9: {  	[tilespmem:$0x690] =	vst v4;
	v4 =	vadd.s32 v2, v5;
	v5 =	vld [tilespmem:$0x6F0]  }
0xaa: {  	v25 =	vld [tilespmem:$0x700];
	[tilespmem:$0x6A0] =	vst v4;
	v4 =	vadd.s32 v2, v21  }
0xab: {  	v26 =	vld [tilespmem:$0x710];
	[tilespmem:$0x6B0] =	vst v4;
	v4 =	vadd.s32 v2, v22  }
0xac: {  	v27 =	vld [tilespmem:$0x720];
	[tilespmem:$0x6C0] =	vst v4;
	v4 =	vadd.s32 v2, v23  }
0xad: {  	v28 =	vld [tilespmem:$0x730];
	[tilespmem:$0x6D0] =	vst v4;
	v4 =	vadd.s32 v2, v24  }
0xae: {  	[tilespmem:$0x6E0] =	vst v4;
	v4 =	vadd.s32 v2, v5;
	v5 =	vld [tilespmem:$0x740]  }
0xaf: {  	v29 =	vld [tilespmem:$0x750];
	[tilespmem:$0x6F0] =	vst v4;
	v4 =	vadd.s32 v2, v25  }
0xb0: {  	v30 =	vld [tilespmem:$0x760];
	[tilespmem:$0x700] =	vst v4;
	v4 =	vadd.s32 v2, v26  }
0xb1: {  	v31 =	vld [tilespmem:$0x770];
	[tilespmem:$0x710] =	vst v4;
	v4 =	vadd.s32 v2, v27  }
0xb2: {  	v32 =	vld [tilespmem:$0x780];
	[tilespmem:$0x720] =	vst v4;
	v4 =	vadd.s32 v2, v28  }
0xb3: {  	[tilespmem:$0x730] =	vst v4;
	v4 =	vadd.s32 v2, v5;
	v5 =	vld [tilespmem:$0x790]  }
0xb4: {  	v33 =	vld [tilespmem:$0x7A0];
	[tilespmem:$0x740] =	vst v4;
	v4 =	vadd.s32 v2, v29  }
0xb5: {  	v34 =	vld [tilespmem:$0x7B0];
	[tilespmem:$0x750] =	vst v4;
	v4 =	vadd.s32 v2, v30  }
0xb6: {  	v35 =	vld [tilespmem:$0x7C0];
	[tilespmem:$0x760] =	vst v4;
	v4 =	vadd.s32 v2, v31  }
0xb7: {  	v36 =	vld [tilespmem:$0x7D0];
	[tilespmem:$0x770] =	vst v4;
	v4 =	vadd.s32 v2, v32  }
0xb8: {  	[tilespmem:$0x780] =	vst v4;
	v4 =	vadd.s32 v2, v5;
	v5 =	vld [tilespmem:$0x7E0]  }
0xb9: {  	v37 =	vld [tilespmem:$0x7F0];
	[tilespmem:$0x790] =	vst v4;
	v4 =	vadd.s32 v2, v33  }
0xba: {  	v38 =	vld [tilespmem:$0x800];
	[tilespmem:$0x7A0] =	vst v4;
	v4 =	vadd.s32 v2, v34  }
0xbb: {  	v39 =	vld [tilespmem:$0x810];
	[tilespmem:$0x7B0] =	vst v4;
	v4 =	vadd.s32 v2, v35  }
0xbc: {  	v40 =	vld [tilespmem:$0x820];
	[tilespmem:$0x7C0] =	vst v4;
	v4 =	vadd.s32 v2, v36  }
0xbd: {  	[tilespmem:$0x7D0] =	vst v4;
	v4 =	vadd.s32 v2, v5;
	v5 =	vld [tilespmem:$0x830]  }
0xbe: {  	v41 =	vld [tilespmem:$0x840];
	[tilespmem:$0x7E0] =	vst v4;
	v4 =	vadd.s32 v2, v37  }
0xbf: {  	v42 =	vld [tilespmem:$0x850];
	[tilespmem:$0x7F0] =	vst v4;
	v4 =	vadd.s32 v3, v38  }
0xc0: {  	v43 =	vld [tilespmem:$0x860];
	[tilespmem:$0x800] =	vst v4;
	v4 =	vadd.s32 v3, v39  }
0xc1: {  	v44 =	vld [tilespmem:$0x870];
	[tilespmem:$0x810] =	vst v4;
	v4 =	vadd.s32 v3, v40  }
0xc2: {  	[tilespmem:$0x820] =	vst v4;
	v4 =	vadd.s32 v3, v5;
	v5 =	vld [tilespmem:$0x880]  }
0xc3: {  	v45 =	vld [tilespmem:$0x890];
	[tilespmem:$0x830] =	vst v4;
	v4 =	vadd.s32 v3, v41  }
0xc4: {  	v46 =	vld [tilespmem:$0x8A0];
	[tilespmem:$0x840] =	vst v4;
	v4 =	vadd.s32 v3, v42  }
0xc5: {  	v47 =	vld [tilespmem:$0x8B0];
	[tilespmem:$0x850] =	vst v4;
	v4 =	vadd.s32 v3, v43  }
0xc6: {  	v48 =	vld [tilespmem:$0x8C0];
	[tilespmem:$0x860] =	vst v4;
	v4 =	vadd.s32 v3, v44  }
0xc7: {  	[tilespmem:$0x870] =	vst v4;
	v4 =	vadd.s32 v3, v5;
	v5 =	vld [tilespmem:$0x8D0]  }
0xc8: {  	v49 =	vld [tilespmem:$0x8E0];
	[tilespmem:$0x880] =	vst v4;
	v4 =	vadd.s32 v3, v45  }
0xc9: {  	v50 =	vld [tilespmem:$0x8F0];
	[tilespmem:$0x890] =	vst v4;
	v4 =	vadd.s32 v3, v46  }
0xca: {  	v51 =	vld [tilespmem:$0x900];
	[tilespmem:$0x8A0] =	vst v4;
	v4 =	vadd.s32 v3, v47  }
0xcb: {  	v52 =	vld [tilespmem:$0x910];
	[tilespmem:$0x8B0] =	vst v4;
	v4 =	vadd.s32 v3, v48  }
0xcc: {  	[tilespmem:$0x8C0] =	vst v4;
	v4 =	vadd.s32 v3, v5;
	v5 =	vld [tilespmem:$0x920]  }
0xcd: {  	v53 =	vld [tilespmem:$0x930];
	[tilespmem:$0x8D0] =	vst v4;
	v4 =	vadd.s32 v3, v49  }
0xce: {  	v54 =	vld [tilespmem:$0x940];
	[tilespmem:$0x8E0] =	vst v4;
	v4 =	vadd.s32 v3, v50  }
0xcf: {  	v55 =	vld [tilespmem:$0x950];
	[tilespmem:$0x8F0] =	vst v4;
	v4 =	vadd.s32 v3, v51  }
0xd0: {  	v56 =	vld [tilespmem:$0x960];
	[tilespmem:$0x900] =	vst v4;
	v4 =	vadd.s32 v3, v52  }
0xd1: {  	[tilespmem:$0x910] =	vst v4;
	v4 =	vadd.s32 v3, v5;
	v5 =	vld [tilespmem:$0x970]  }
0xd2: {  	v57 =	vld [tilespmem:$0x980];
	[tilespmem:$0x920] =	vst v4;
	v4 =	vadd.s32 v3, v53  }
0xd3: {  	v58 =	vld [tilespmem:$0x990];
	[tilespmem:$0x930] =	vst v4;
	v4 =	vadd.s32 v3, v54  }
0xd4: {  	v59 =	vld [tilespmem:$0x9A0];
	[tilespmem:$0x940] =	vst v4;
	v4 =	vadd.s32 v3, v55  }
0xd5: {  	v60 =	vld [tilespmem:$0x9B0];
	[tilespmem:$0x950] =	vst v4;
	v4 =	vadd.s32 v3, v56  }
0xd6: {  	[tilespmem:$0x960] =	vst v4;
	v4 =	vadd.s32 v3, v5;
	v5 =	vld [tilespmem:$0x9C0]  }
0xd7: {  	v61 =	vld [tilespmem:$0x9D0];
	[tilespmem:$0x970] =	vst v4;
	v4 =	vadd.s32 v3, v57  }
0xd8: {  	v62 =	vld [tilespmem:$0x9E0];
	[tilespmem:$0x980] =	vst v4;
	v4 =	vadd.s32 v3, v58  }
0xd9: {  	v63 =	vld [tilespmem:$0x9F0];
	[tilespmem:$0x990] =	vst v4;
	v4 =	vadd.s32 v3, v59  }
0xda: {  	[tilespmem:$0x9A0] =	vst v4;
	v4 =	vadd.s32 v3, v60  }
0xdb: {  	[tilespmem:$0x9B0] =	vst v4;
	v4 =	vadd.s32 v3, v5  }
0xdc: {  	[tilespmem:$0x9C0] =	vst v4;
	v4 =	vadd.s32 v3, v61  }
0xdd: {  	[tilespmem:$0x9D0] =	vst v4;
	v4 =	vadd.s32 v3, v62  }
0xde: {  	[tilespmem:$0x9E0] =	vst v4;
	v4 =	vadd.s32 v3, v63  }
0xdf: {  	[tilespmem:$0x9F0] =	vst v4  }
0xe0: {  	[tilespmem:s19], [sflag:$0x1] =	stream.indirect.gather [hbm4b:s3+s18], $0x80, s2, s18, $0xb8;
	[tilespmem:$0x18A00] =	vst v63  }
0xe1: {  	_ = 	snop  }
0xe2: {  	[tilespmem:s20], [sflag:$0x2] =	stream.indirect.gather [hbm4b:s4+s18], $0x80, s13, s18, $0xb8;
	[tilespmem:$0x18A00] =	vst v63  }
0xe3: {  	_ =	swait.ge [sflag:s21], $0x8000  }
0xe4: {  	[sflag:s21] =	ssyncset.done $0x0  }
0xe5: {  	s29 =	rddreg [dreg:$0xe];
	[sflag:s21] =	ssyncadd.s32 $0xFFFF8000  }
0xe6: {  	[hbm4b:s29+s2] =	stream.linear.scatter [tilespmem:s19], [sflag:$0x4], $0x8000, $0x38;
	[tilespmem:$0x18A00] =	vst v63  }
0xe7: {  	_ = 	snop  }
0xe8: {  	[tilespmem:s22], [sflag:$0x3] =	stream.indirect.gather [hbm4b:s5+s18], $0x80, s14, s18, $0xb8;
	[tilespmem:$0x18A00] =	vst v63  }
0xe9: {  	_ =	swait.ge [sflag:s23], $0x8000  }
0xea: {  	[sflag:s23] =	ssyncset.done $0x0  }
0xeb: {  	s29 =	rddreg [dreg:$0xf];
	[sflag:s23] =	ssyncadd.s32 $0xFFFF8000  }
0xec: {  	[hbm4b:s29+s2] =	stream.linear.scatter [tilespmem:s20], [sflag:$0x5], $0x8000, $0x38;
	[tilespmem:$0x18A00] =	vst v63  }
0xed: {  	_ =	swait.ge [sflag:s24], $0x8000  }
0xee: {  	[sflag:s24] =	ssyncset.done $0x0  }
0xef: {  	[sflag:s24] =	ssyncadd.s32 $0xFFFF8000  }
0xf0: {  	[tilespmem:s19], [sflag:$0x1] =	stream.indirect.gather [hbm4b:s6+s18], $0x80, s15, s18, $0xb8;
	[tilespmem:$0x18A00] =	vst v63  }
0xf1: {  	_ =	swait.ge [sflag:s25], $0x8000  }
0xf2: {  	[sflag:s25] =	ssyncset.done $0x0  }
0xf3: {  	s29 =	rddreg [dreg:$0x10];
	[sflag:s25] =	ssyncadd.s32 $0xFFFF8000  }
0xf4: {  	[hbm4b:s29+s2] =	stream.linear.scatter [tilespmem:s22], [sflag:$0x6], $0x8000, $0x38;
	[tilespmem:$0x18A00] =	vst v63  }
0xf5: {  	_ =	swait.ge [sflag:s26], $0x8000  }
0xf6: {  	[sflag:s26] =	ssyncset.done $0x0  }
0xf7: {  	[sflag:s26] =	ssyncadd.s32 $0xFFFF8000  }
0xf8: {  	[tilespmem:s20], [sflag:$0x2] =	stream.indirect.gather [hbm4b:s7+s18], $0x80, s16, s18, $0xb8;
	[tilespmem:$0x18A00] =	vst v63  }
0xf9: {  	_ =	swait.ge [sflag:s21], $0x8000  }
0xfa: {  	[sflag:s21] =	ssyncset.done $0x0  }
0xfb: {  	s29 =	rddreg [dreg:$0x11];
	[sflag:s21] =	ssyncadd.s32 $0xFFFF8000  }
0xfc: {  	[hbm4b:s29+s2] =	stream.linear.scatter [tilespmem:s19], [sflag:$0x4], $0x8000, $0x38;
	[tilespmem:$0x18A00] =	vst v63  }
0xfd: {  	_ =	swait.ge [sflag:s28], $0x8000  }
0xfe: {  	[sflag:s28] =	ssyncset.done $0x0  }
0xff: {  	[sflag:s28] =	ssyncadd.s32 $0xFFFF8000  }
0x100: {  	[tilespmem:s22], [sflag:$0x3] =	stream.indirect.gather [hbm4b:s3+s18], $0x80, s18, s18, $0xb8;
	[tilespmem:$0x18A00] =	vst v63  }
0x101: {  	_ =	swait.ge [sflag:s23], $0x8000  }
0x102: {  	[sflag:s23] =	ssyncset.done $0x0  }
0x103: {  	s29 =	rddreg [dreg:$0x12];
	[sflag:s23] =	ssyncadd.s32 $0xFFFF8000  }
0x104: {  	[hbm4b:s29+s2] =	stream.linear.scatter [tilespmem:s20], [sflag:$0x5], $0x8000, $0x38;
	[tilespmem:$0x18A00] =	vst v63  }
0x105: {  	_ =	swait.ge [sflag:s24], $0x8000  }
0x106: {  	[sflag:s24] =	ssyncset.done $0x0  }
0x107: {  	s29 =	simm.s32 $0x300;
	[sflag:s24] =	ssyncadd.s32 $0xFFFF8000  }
0x108: {  	[tilespmem:s19], [sflag:$0x1] =	stream.indirect.gather [hbm4b:s4+s18], $0x80, s29, s18, $0xb8;
	[tilespmem:$0x18A00] =	vst v63  }
0x109: {  	_ =	swait.ge [sflag:s25], $0x8000  }
0x10a: {  	[sflag:s25] =	ssyncset.done $0x0  }
0x10b: {  	s29 =	rddreg [dreg:$0x13];
	[sflag:s25] =	ssyncadd.s32 $0xFFFF8000  }
0x10c: {  	[hbm4b:s29+s2] =	stream.linear.scatter [tilespmem:s22], [sflag:$0x6], $0x8000, $0x38;
	[tilespmem:$0x18A00] =	vst v63  }
0x10d: {  	_ =	swait.ge [sflag:s26], $0x8000  }
0x10e: {  	[sflag:s26] =	ssyncset.done $0x0  }
0x10f: {  	[sflag:s26] =	ssyncadd.s32 $0xFFFF8000  }
0x110: {  	[tilespmem:s20], [sflag:$0x2] =	stream.indirect.gather [hbm4b:s5+s18], $0x80, s30, s18, $0xb8;
	[tilespmem:$0x18A00] =	vst v63  }
0x111: {  	_ =	swait.ge [sflag:s21], $0x8000  }
0x112: {  	[sflag:s21] =	ssyncset.done $0x0  }
0x113: {  	[sflag:s21] =	ssyncadd.s32 $0xFFFF8000  }
0x114: {  	[hbm4b:s8+s2] =	stream.linear.scatter [tilespmem:s19], [sflag:$0x4], $0x8000, $0x38;
	[tilespmem:$0x18A00] =	vst v63  }
0x115: {  	_ =	swait.ge [sflag:s28], $0x8000  }
0x116: {  	[sflag:s28] =	ssyncset.done $0x0  }
0x117: {  	[sflag:s28] =	ssyncadd.s32 $0xFFFF8000  }
0x118: {  	[tilespmem:s22], [sflag:$0x3] =	stream.indirect.gather [hbm4b:s6+s18], $0x80, s31, s18, $0xb8;
	[tilespmem:$0x18A00] =	vst v63  }
0x119: {  	_ =	swait.ge [sflag:s23], $0x8000  }
0x11a: {  	[sflag:s23] =	ssyncset.done $0x0  }
0x11b: {  	[sflag:s23] =	ssyncadd.s32 $0xFFFF8000  }
0x11c: {  	[hbm4b:s9+s2] =	stream.linear.scatter [tilespmem:s20], [sflag:$0x5], $0x8000, $0x38;
	[tilespmem:$0x18A00] =	vst v63  }
0x11d: {  	_ =	swait.ge [sflag:s24], $0x8000  }
0x11e: {  	[sflag:s24] =	ssyncset.done $0x0  }
0x11f: {  	[sflag:s24] =	ssyncadd.s32 $0xFFFF8000  }
0x120: {  	[tilespmem:s19], [sflag:$0x1] =	stream.indirect.gather [hbm4b:s7+s18], $0x80, s0, s18, $0xb8;
	[tilespmem:$0x18A00] =	vst v63  }
0x121: {  	_ =	swait.ge [sflag:s25], $0x8000  }
0x122: {  	[sflag:s25] =	ssyncset.done $0x0  }
0x123: {  	[sflag:s25] =	ssyncadd.s32 $0xFFFF8000  }
0x124: {  	[hbm4b:s10+s2] =	stream.linear.scatter [tilespmem:s22], [sflag:$0x6], $0x8000, $0x38;
	[tilespmem:$0x18A00] =	vst v63  }
0x125: {  	_ =	swait.ge [sflag:s21], $0x8000  }
0x126: {  	[sflag:s21] =	ssyncset.done $0x0  }
0x127: {  	[sflag:s21] =	ssyncadd.s32 $0xFFFF8000  }
0x128: {  	[hbm4b:s11+s2] =	stream.linear.scatter [tilespmem:s19], [sflag:$0x4], $0x8000, $0x38;
	[tilespmem:$0x18A00] =	vst v63  }
0x129: {  	_ =	swait.ge [sflag:s26], $0x8000  }
0x12a: {  	[sflag:s26] =	ssyncset.done $0x0  }
0x12b: {  	[sflag:s26] =	ssyncadd.s32 $0xFFFF8000  }
0x12c: {  	p0 =	sne.s32 s12, $0x1;
	_ =	swait.ge [sflag:s28], $0x8000  }
.Ltmp0:
0x12d: {  	[sflag:s28] =	ssyncset.done $0x0;
	(pc) =	sbr.rel @p0 .LBB2_1-.Ltmp0, $4  }
0x12e: {  	[sflag:s28] =	ssyncadd.s32 $0xFFFF8000  }
0x12f: {  	_ =	swait.ge [sflag:s24], $0x8000  }
0x130: {  	[sflag:s24] =	ssyncset.done $0x0  }
0x131: {  	s12 =	sadd.s32 $0xFFFFFFFF, s12;
	[sflag:s24] =	ssyncadd.s32 $0xFFFF8000  }
0x132: {  	_ =	sfence.sel $0x180000  }
0x133: {  	[bflag:$0x0] =	sbarrier.arrive $0xFFFF  }
0x134: {  	_ =	strace $0x90000047  }
0x135: {  	s0 =	stileid.u32;
	[bflag:$0x2] =	sbarrier.arrive $0xFFFF  }
0x136: {  	p0 =	sne.s32 s0, $0x0;
	s0 =	rddreg [dreg:$0x8]  }
0x137: {  	s0 =	sadd.s32 @!p0 $0x100000, s0  }
0x138: {  	[sflag:s0] =	ssyncadd.tile.s32 @!p0 $0x1;
	_ =	shalt  }
.Lfunc_end2:
_tile_overlayer_lowered:
.L_overlay_start_2:
0x139: {  	(tag) =	ssettag $0x2  }
0x13a: {  	s0 =	rddreg [dreg:$0x0];
	s2 =	stileid.u32  }
0x13b: {  	s1 =	rddreg [dreg:$0x1];
	p0 =	sne.s32 s2, $0x0  }
0x13c: {  	s3 =	rddreg [dreg:$0x2];
	[bflag:$0x3] =	sbarrier.arrive $0xFFFF;
	s2 =	simm.s32 @!p0 $0x1C08  }
0x13d: {  	[timem:s3], [sflag:s2] =	dma.local @!p0 [hbm:s0], s1  }
0x13e: {  	s0 =	simm.s32 @!p0 $0x8  }
0x13f: {  	_ =	swait.ge @!p0 [sflag:s0], s1  }
0x140: {  	s1 =	ssub.s32 @!p0 $0x0, s1;
	[sflag:s0] =	ssyncset.done @!p0 $0x0  }
0x141: {  	[sflag:s0] =	ssyncadd.s32 @!p0 s1  }
0x142: {  	[bflag:$0x3] =	sbarrier.arrive $0xFFFF  }
0x143: {  	_ =	shalt  }

</sc_bundles>
